<compile_context>
chip_gen: v7x
topology: tpu7x:2x2x1
jax: 0.10.2.dev20260603
libtpu: 0.0.44.dev20260713+nightly
codegen_flags: <defaults>
</compile_context>

<pallas_src>
import functools

import jax
import jax.numpy as jnp
from jax.experimental import pallas as pl



def _square_distance(src, dst):
    return (jnp.sum(src ** 2, -1)[:, :, None]
            + jnp.sum(dst ** 2, -1)[:, None, :]
            - 2.0 * jnp.einsum('bnc,bmc->bnm', src, dst))


def _pd_kernel(src_ref, dstT_ref, o_ref, *, radius, n_sentinel):
    a = src_ref[0]
    xT = dstT_ref[0]
    s2 = (a[:, 0:1] * a[:, 0:1] + a[:, 1:2] * a[:, 1:2]) + a[:, 2:3] * a[:, 2:3]
    x2 = (xT[0:1] * xT[0:1] + xT[1:2] * xT[1:2]) + xT[2:3] * xT[2:3]
    e = jax.lax.dot_general(
        a.astype(jnp.bfloat16), xT.astype(jnp.bfloat16),
        (((1,), (0,)), ((), ())), preferred_element_type=jnp.float32)
    d2 = (s2 + x2) - 2.0 * e
    if radius is None:
        o_ref[0] = d2
    else:
        iota = jax.lax.broadcasted_iota(jnp.int32, d2.shape, 1)
        o_ref[0] = jnp.where(d2 > radius ** 2, n_sentinel, iota)


def _pairdist(src, dst, radius=None):
    b, s, _ = src.shape
    n = dst.shape[1]
    dst_t = jnp.transpose(dst, (0, 2, 1))
    r = min(s, 256)
    out_dtype = jnp.float32 if radius is None else jnp.int32
    return pl.pallas_call(
        functools.partial(_pd_kernel, radius=radius, n_sentinel=n),
        grid=(b, s // r),
        in_specs=[
            pl.BlockSpec((1, r, 3), lambda i, j: (i, j, 0)),
            pl.BlockSpec((1, 3, n), lambda i, j: (i, 0, 0)),
        ],
        out_specs=pl.BlockSpec((1, r, n), lambda i, j: (i, j, 0)),
        out_shape=jax.ShapeDtypeStruct((b, s, n), out_dtype),
    )(src, dst_t)


def _index_points(points, idx):
    return jax.vmap(lambda p, i: p[i])(points, idx)


def _fps_kernel(x_ref, y_ref, z_ref, out_ref, *, npoint, n, b):
    x = x_ref[...]
    y = y_ref[...]
    z = z_ref[...]
    iota_n = jax.lax.broadcasted_iota(jnp.int32, (b, n), 1)
    iota_s = jax.lax.broadcasted_iota(jnp.int32, (b, npoint), 1)

    out_ref[...] = jnp.zeros((b, npoint), jnp.int32)

    def body(i, state):
        distance, farthest = state
        far_s = jnp.broadcast_to(farthest, (b, npoint))
        out_ref[...] = jnp.where(iota_s == i, far_s, out_ref[...])
        sel = iota_n == jnp.broadcast_to(farthest, (b, n))
        cx = jnp.sum(jnp.where(sel, x, 0.0), axis=1, keepdims=True)
        cy = jnp.sum(jnp.where(sel, y, 0.0), axis=1, keepdims=True)
        cz = jnp.sum(jnp.where(sel, z, 0.0), axis=1, keepdims=True)
        d = (x - cx) ** 2 + (y - cy) ** 2 + (z - cz) ** 2
        distance = jnp.minimum(distance, d)
        m = jnp.max(distance, axis=1, keepdims=True)
        farthest = jnp.min(jnp.where(distance == m, iota_n, n), axis=1,
                           keepdims=True).astype(jnp.int32)
        return distance, farthest

    dist0 = jnp.full((b, n), 1e10, jnp.float32)
    far0 = jnp.zeros((b, 1), jnp.int32)
    jax.lax.fori_loop(0, npoint, body, (dist0, far0))


def _farthest_point_sample(xyz, npoint):
    xyz = jax.lax.stop_gradient(xyz)
    b, n, _ = xyz.shape

    def body(i, state):
        centroids, distance, farthest = state
        centroids = centroids.at[:, i].set(farthest)
        centroid = _index_points(xyz, farthest[:, None])
        dist = jnp.sum((xyz - centroid) ** 2, -1)
        distance = jnp.minimum(distance, dist)
        farthest = jnp.argmax(distance, -1).astype(jnp.int32)
        return (centroids, distance, farthest)

    centroids = jnp.zeros((b, npoint), dtype=jnp.int32)
    distance = jnp.full((b, n), 1e10, dtype=xyz.dtype)
    farthest = jnp.zeros((b,), dtype=jnp.int32)
    centroids, _, _ = jax.lax.fori_loop(0, npoint, body,
                                        (centroids, distance, farthest))
    return centroids


def _query_ball_point(radius, nsample, xyz, new_xyz):
    xyz = jax.lax.stop_gradient(xyz)
    new_xyz = jax.lax.stop_gradient(new_xyz)
    n = xyz.shape[1]
    sqrdists = _square_distance(new_xyz, xyz)
    group_idx = jnp.broadcast_to(
        jnp.arange(n, dtype=jnp.int32)[None, None, :], sqrdists.shape)
    group_idx = jnp.where(sqrdists > radius ** 2, n, group_idx)
    group_idx = -jax.lax.top_k(-group_idx, nsample)[0]
    group_first = jnp.broadcast_to(group_idx[:, :, :1], group_idx.shape)
    group_idx = jnp.where(group_idx == n, group_first, group_idx)
    return group_idx


def _batchnorm(x, gamma, beta, axes):
    mean = jnp.mean(x, axis=axes, keepdims=True)
    var = jnp.mean((x - mean) ** 2, axis=axes, keepdims=True)
    return gamma * (x - mean) / jnp.sqrt(var + 1e-5) + beta


def _fps_pallas(x, y, z, npoint):
    b, n = x.shape
    return pl.pallas_call(
        functools.partial(_fps_kernel, npoint=npoint, n=n, b=b),
        out_shape=jax.ShapeDtypeStruct((b, npoint), jnp.int32),
    )(x, y, z)


def _sa_layer(xyz, points, npoint, radius, nsample, layers, fps_idx=None):
    if fps_idx is None:
        fps_idx = _farthest_point_sample(xyz, npoint)
    new_xyz = _index_points(xyz, fps_idx)
    idx = _query_ball_point(radius, nsample, xyz, new_xyz)
    grouped_xyz = _index_points(xyz, idx)
    grouped_xyz_norm = grouped_xyz - new_xyz[:, :, None, :]
    grouped_points = _index_points(points, idx)
    h = jnp.concatenate([grouped_xyz_norm, grouped_points], axis=-1)
    for lyr in layers:
        h = h @ lyr['W'].T + lyr['b']
        h = _batchnorm(h, lyr['gamma'], lyr['beta'], (0, 1, 2))
        h = jax.nn.relu(h)
    new_points = jnp.max(h, axis=2)
    return new_xyz, new_points


def _fp_layer(xyz1, xyz2, points1, points2, layers):
    b, n, _ = xyz1.shape
    s = xyz2.shape[1]
    if s == 1:
        interpolated = jnp.broadcast_to(points2, (b, n, points2.shape[-1]))
    else:
        dists = _square_distance(xyz1, xyz2)
        idx = jnp.argsort(dists, axis=-1)[:, :, :3]
        d3 = jnp.take_along_axis(dists, idx, axis=-1)
        dist_recip = 1.0 / (d3 + 1e-8)
        norm = jnp.sum(dist_recip, axis=2, keepdims=True)
        weight = dist_recip / norm
        interpolated = jnp.sum(
            _index_points(points2, idx) * weight[..., None], axis=2)
    if points1 is not None:
        h = jnp.concatenate([points1, interpolated], axis=-1)
    else:
        h = interpolated
    for lyr in layers:
        h = h @ lyr['W'].T + lyr['b']
        h = _batchnorm(h, lyr['gamma'], lyr['beta'], (0, 1))
        h = jax.nn.relu(h)
    return h



_ROWS = 1024


def _mm_bias_kernel(x_ref, w_ref, b_ref, o_ref):
    o_ref[...] = (
        jnp.dot(x_ref[...], w_ref[...],
                preferred_element_type=jnp.float32) + b_ref[...])


def _bn_relu_mm_kernel(y_ref, scale_ref, shift_ref, w_ref, b_ref, o_ref):
    h = jax.nn.relu(y_ref[...] * scale_ref[...] + shift_ref[...])
    o_ref[...] = (
        jnp.dot(h, w_ref[...], preferred_element_type=jnp.float32)
        + b_ref[...])


def _head(h, params):
    b, n, c = h.shape
    x = h.reshape(b * n, c)
    w1t = params['conv1']['W'].T
    b1 = params['conv1']['b'][None, :]
    y1 = pl.pallas_call(
        _mm_bias_kernel,
        grid=(b * n // _ROWS,),
        in_specs=[
            pl.BlockSpec((_ROWS, c), lambda i: (i, 0)),
            pl.BlockSpec((c, c), lambda i: (0, 0)),
            pl.BlockSpec((1, c), lambda i: (0, 0)),
        ],
        out_specs=pl.BlockSpec((_ROWS, c), lambda i: (i, 0)),
        out_shape=jax.ShapeDtypeStruct((b * n, c), jnp.float32),
    )(x, w1t, b1)

    mean = jnp.mean(y1, axis=0, keepdims=True)
    var = jnp.mean((y1 - mean) ** 2, axis=0, keepdims=True)
    gamma = params['bn1']['gamma'][None, :]
    beta = params['bn1']['beta'][None, :]
    scale = gamma / jnp.sqrt(var + 1e-5)
    shift = beta - mean * scale

    w2 = params['conv2']['W']
    nc = w2.shape[0]
    w2t_pad = jnp.zeros((c, 128), jnp.float32).at[:, :nc].set(w2.T)
    b2_pad = jnp.zeros((1, 128), jnp.float32).at[0, :nc].set(
        params['conv2']['b'])
    out = pl.pallas_call(
        _bn_relu_mm_kernel,
        grid=(b * n // _ROWS,),
        in_specs=[
            pl.BlockSpec((_ROWS, c), lambda i: (i, 0)),
            pl.BlockSpec((1, c), lambda i: (0, 0)),
            pl.BlockSpec((1, c), lambda i: (0, 0)),
            pl.BlockSpec((c, 128), lambda i: (0, 0)),
            pl.BlockSpec((1, 128), lambda i: (0, 0)),
        ],
        out_specs=pl.BlockSpec((_ROWS, 128), lambda i: (i, 0)),
        out_shape=jax.ShapeDtypeStruct((b * n, 128), jnp.float32),
    )(y1, scale, shift, w2t_pad, b2_pad)
    return out[:, :nc].reshape(b, n, nc)



def kernel(xyz, points, params):
    l0_xyz = jnp.transpose(xyz, (0, 2, 1))
    l0_points = jnp.transpose(points, (0, 2, 1))
    fps1 = _fps_pallas(xyz[:, 0, :], xyz[:, 1, :], xyz[:, 2, :], 1024)
    l1_xyz, l1_points = _sa_layer(l0_xyz, l0_points, 1024, 0.1, 32,
                                  params['sa1'], fps_idx=fps1)
    l2_xyz, l2_points = _sa_layer(l1_xyz, l1_points, 256, 0.2, 32,
                                  params['sa2'])
    l3_xyz, l3_points = _sa_layer(l2_xyz, l2_points, 64, 0.4, 32,
                                  params['sa3'])
    l4_xyz, l4_points = _sa_layer(l3_xyz, l3_points, 16, 0.8, 32,
                                  params['sa4'])
    l3_points = _fp_layer(l3_xyz, l4_xyz, l3_points, l4_points, params['fp4'])
    l2_points = _fp_layer(l2_xyz, l3_xyz, l2_points, l3_points, params['fp3'])
    l1_points = _fp_layer(l1_xyz, l2_xyz, l1_points, l2_points, params['fp2'])
    l0_points = _fp_layer(l0_xyz, l1_xyz, l0_points, l1_points, params['fp1'])
    return _head(l0_points, params)

# --- scband reference (transcript-rebuilt; emitter-appended) ---
"""Pipeline reference for scband-point-net2-sem-seg-7954279432405 (READ-ONLY COPY).

The authoritative reference and input builder live on the scoring server;
editing this copy changes nothing except your own understanding.
"""

import jax, jax.numpy as jnp
import numpy as np

NUM_CLASSES = 13
B = 8
N = 4096


def square_distance(src, dst):
    return (jnp.sum(src ** 2, -1)[:, :, None]
            + jnp.sum(dst ** 2, -1)[:, None, :]
            - 2.0 * jnp.einsum('bnc,bmc->bnm', src, dst))


def index_points(points, idx):
    # points: [B, N, C]; idx: [B, ...] int -> [B, ..., C]
    return jax.vmap(lambda p, i: p[i])(points, idx)


def farthest_point_sample(xyz, npoint):
    # indices only -> no gradient flows through FPS in the torch original either
    xyz = jax.lax.stop_gradient(xyz)
    b, n, _ = xyz.shape

    def body(i, state):
        centroids, distance, farthest = state
        centroids = centroids.at[:, i].set(farthest)
        centroid = index_points(xyz, farthest[:, None])  # [B,1,3]
        dist = jnp.sum((xyz - centroid) ** 2, -1)
        distance = jnp.minimum(distance, dist)
        farthest = jnp.argmax(distance, -1).astype(jnp.int32)
        return (centroids, distance, farthest)

    centroids = jnp.zeros((b, npoint), dtype=jnp.int32)
    distance = jnp.full((b, n), 1e10, dtype=xyz.dtype)
    farthest = jnp.zeros((b,), dtype=jnp.int32)
    centroids, _, _ = jax.lax.fori_loop(0, npoint, body, (centroids, distance, farthest))
    return centroids


def query_ball_point(radius, nsample, xyz, new_xyz):
    xyz = jax.lax.stop_gradient(xyz)
    new_xyz = jax.lax.stop_gradient(new_xyz)
    b, n, _ = xyz.shape
    s = new_xyz.shape[1]
    sqrdists = square_distance(new_xyz, xyz)  # [B,S,N]
    group_idx = jnp.broadcast_to(jnp.arange(n, dtype=jnp.int32)[None, None, :], (b, s, n))
    group_idx = jnp.where(sqrdists > radius ** 2, n, group_idx)
    group_idx = jnp.sort(group_idx, axis=-1)[:, :, :nsample]
    group_first = jnp.broadcast_to(group_idx[:, :, :1], group_idx.shape)
    group_idx = jnp.where(group_idx == n, group_first, group_idx)
    return group_idx


def batchnorm(x, gamma, beta, axes):
    # training-mode batch statistics (biased var), eps=1e-5, matching torch BN forward
    mean = jnp.mean(x, axis=axes, keepdims=True)
    var = jnp.mean((x - mean) ** 2, axis=axes, keepdims=True)
    return gamma * (x - mean) / jnp.sqrt(var + 1e-5) + beta


def sa_layer(xyz, points, npoint, radius, nsample, layers):
    # xyz [B,N,3], points [B,N,D] (channel-last)
    fps_idx = farthest_point_sample(xyz, npoint)
    new_xyz = index_points(xyz, fps_idx)                    # [B,S,3]
    idx = query_ball_point(radius, nsample, xyz, new_xyz)   # [B,S,K]
    grouped_xyz = index_points(xyz, idx)                    # [B,S,K,3]
    grouped_xyz_norm = grouped_xyz - new_xyz[:, :, None, :]
    grouped_points = index_points(points, idx)              # [B,S,K,D]
    h = jnp.concatenate([grouped_xyz_norm, grouped_points], axis=-1)
    for lyr in layers:
        h = h @ lyr['W'].T + lyr['b']
        h = batchnorm(h, lyr['gamma'], lyr['beta'], (0, 1, 2))
        h = jax.nn.relu(h)
    new_points = jnp.max(h, axis=2)                          # max over nsample
    return new_xyz, new_points


def fp_layer(xyz1, xyz2, points1, points2, layers):
    b, n, _ = xyz1.shape
    s = xyz2.shape[1]
    if s == 1:
        interpolated = jnp.broadcast_to(points2, (b, n, points2.shape[-1]))
    else:
        dists = square_distance(xyz1, xyz2)                  # [B,N,S]
        idx = jnp.argsort(dists, axis=-1)[:, :, :3]
        d3 = jnp.take_along_axis(dists, idx, axis=-1)
        dist_recip = 1.0 / (d3 + 1e-8)
        norm = jnp.sum(dist_recip, axis=2, keepdims=True)
        weight = dist_recip / norm
        interpolated = jnp.sum(index_points(points2, idx) * weight[..., None], axis=2)
    if points1 is not None:
        h = jnp.concatenate([points1, interpolated], axis=-1)
    else:
        h = interpolated
    for lyr in layers:
        h = h @ lyr['W'].T + lyr['b']
        h = batchnorm(h, lyr['gamma'], lyr['beta'], (0, 1))
        h = jax.nn.relu(h)
    return h


def forward(xyz, points, params):
    l0_xyz = jnp.transpose(xyz, (0, 2, 1))
    l0_points = jnp.transpose(points, (0, 2, 1))
    l1_xyz, l1_points = sa_layer(l0_xyz, l0_points, 1024, 0.1, 32, params['sa1'])
    l2_xyz, l2_points = sa_layer(l1_xyz, l1_points, 256, 0.2, 32, params['sa2'])
    l3_xyz, l3_points = sa_layer(l2_xyz, l2_points, 64, 0.4, 32, params['sa3'])
    l4_xyz, l4_points = sa_layer(l3_xyz, l3_points, 16, 0.8, 32, params['sa4'])
    l3_points = fp_layer(l3_xyz, l4_xyz, l3_points, l4_points, params['fp4'])
    l2_points = fp_layer(l2_xyz, l3_xyz, l2_points, l3_points, params['fp3'])
    l1_points = fp_layer(l1_xyz, l2_xyz, l1_points, l2_points, params['fp2'])
    l0_points = fp_layer(l0_xyz, l1_xyz, l0_points, l1_points, params['fp1'])
    h = l0_points @ params['conv1']['W'].T + params['conv1']['b']
    h = batchnorm(h, params['bn1']['gamma'], params['bn1']['beta'], (0, 1))
    h = jax.nn.relu(h)
    # dropout(0.5) is identity in eval mode
    out = h @ params['conv2']['W'].T + params['conv2']['b']
    return out  # [B, N, NUM_CLASSES] (torch output after permute(0,2,1))


def _make_mlp(key, in_c, channels):
    layers = []
    for c in channels:
        key, k1 = jax.random.split(key)
        layers.append({
            'W': jax.random.normal(k1, (c, in_c), jnp.float32) * (1.0 / np.sqrt(in_c)),
            'b': jnp.zeros((c,), jnp.float32),
            'gamma': jnp.ones((c,), jnp.float32),
            'beta': jnp.zeros((c,), jnp.float32),
        })
        in_c = c
    return layers, key


def setup_inputs(seed: int = 0) -> dict:
    key = jax.random.key(seed)
    key, kx, kp = jax.random.split(key, 3)
    xyz = jax.random.uniform(kx, (B, 3, N), dtype=jnp.float32)
    points = jax.random.normal(kp, (B, 3, N), dtype=jnp.float32)
    params = {}
    params['sa1'], key = _make_mlp(key, 3 + 3, [32, 32, 64])
    params['sa2'], key = _make_mlp(key, 64 + 3, [64, 64, 128])
    params['sa3'], key = _make_mlp(key, 128 + 3, [128, 128, 256])
    params['sa4'], key = _make_mlp(key, 256 + 3, [256, 256, 512])
    params['fp4'], key = _make_mlp(key, 768, [256, 256])
    params['fp3'], key = _make_mlp(key, 384, [256, 256])
    params['fp2'], key = _make_mlp(key, 320, [256, 128])
    params['fp1'], key = _make_mlp(key, 128 + 3, [128, 128, 128])
    key, k1, k2 = jax.random.split(key, 3)
    params['conv1'] = {'W': jax.random.normal(k1, (128, 128), jnp.float32) * (1.0 / np.sqrt(128)),
                       'b': jnp.zeros((128,), jnp.float32)}
    params['bn1'] = {'gamma': jnp.ones((128,), jnp.float32), 'beta': jnp.zeros((128,), jnp.float32)}
    params['conv2'] = {'W': jax.random.normal(k2, (NUM_CLASSES, 128), jnp.float32) * (1.0 / np.sqrt(128)),
                       'b': jnp.zeros((NUM_CLASSES,), jnp.float32)}
    return {'xyz': xyz, 'points': points, 'params': params}


def reference(xyz, points, params):
    return forward(xyz, points, params)

if __name__ == "__main__":
    import jax
    _d = setup_inputs()
    print(jax.jit(kernel)(*tuple(_d.values())))

</pallas_src>

<mosaic_0001>
module attributes {stable_mosaic.version = 14 : i64} {
  func.func @_fps_kernel(%arg0: memref<8x4096xf32, #tpu.memory_space<vmem>>, %arg1: memref<8x4096xf32, #tpu.memory_space<vmem>>, %arg2: memref<8x4096xf32, #tpu.memory_space<vmem>>, %arg3: memref<8x1024xi32, #tpu.memory_space<vmem>>) attributes {dimension_semantics = [], scalar_prefetch = 0 : i64, scratch_operands = 0 : i64, tpu.core_type = #tpu.core_type<tc>} {
    %get3A = arith.constant 0 : index
    %get3A_0 = arith.constant 0 : index
    %get3A_1 = vector.load %arg0[%get3A, %get3A_0] : memref<8x4096xf32, #tpu.memory_space<vmem>>, vector<8x4096xf32>
    %get3A_2 = arith.constant 0 : index
    %get3A_3 = arith.constant 0 : index
    %get3A_4 = vector.load %arg1[%get3A_2, %get3A_3] : memref<8x4096xf32, #tpu.memory_space<vmem>>, vector<8x4096xf32>
    %get3A_5 = arith.constant 0 : index
    %get3A_6 = arith.constant 0 : index
    %get3A_7 = vector.load %arg2[%get3A_5, %get3A_6] : memref<8x4096xf32, #tpu.memory_space<vmem>>, vector<8x4096xf32>
    %iota3A = tpu.iota {dimensions = array<i32: 1>} : vector<8x4096xi32>
    %iota3A_8 = tpu.iota {dimensions = array<i32: 1>} : vector<8x1024xi32>
    %broadcast_in_dim3A = arith.constant 0 : i32
    %broadcast_in_dim3A_9 = vector.broadcast %broadcast_in_dim3A : i32 to vector<8x1024xi32>
    %swap3A = arith.constant 0 : index
    %swap3A_10 = arith.constant 0 : index
    %swap3A_11 = vector.load %arg3[%swap3A, %swap3A_10] : memref<8x1024xi32, #tpu.memory_space<vmem>>, vector<8x1024xi32>
    tpu.vector_store %arg3[%swap3A, %swap3A_10], %broadcast_in_dim3A_9 {strides = array<i32>} : memref<8x1024xi32, #tpu.memory_space<vmem>>, vector<8x1024xi32>,
    %broadcast_in_dim3A_12 = arith.constant 1.000000e+10 : f32
    %broadcast_in_dim3A_13 = vector.broadcast %broadcast_in_dim3A_12 : f32 to vector<8x4096xf32>
    %broadcast_in_dim3A_14 = arith.constant 0 : i32
    %broadcast_in_dim3A_15 = vector.broadcast %broadcast_in_dim3A_14 : i32 to vector<8x1xi32>
    %scan3A = arith.constant 0 : i32
    %scan3A_16 = arith.constant 1024 : i32
    %scan3A_17 = arith.addi %scan3A, %scan3A_16 : i32
    %scan3A_18 = arith.constant 1 : i32
    %scan3A_19:2 = scf.for %scan3A_21 = %scan3A to %scan3A_17 step %scan3A_18 iter_args(%scan3A_22 = %broadcast_in_dim3A_13, %scan3A_23 = %broadcast_in_dim3A_15) -> (vector<8x4096xf32>, vector<8x1xi32>)  : i32 {
      %broadcast_in_dim3A_24 = vector.shape_cast %scan3A_23 : vector<8x1xi32> to vector<8x1xi32>
      %broadcast_in_dim3A_25 = vector.broadcast %broadcast_in_dim3A_24 : vector<8x1xi32> to vector<8x1024xi32>
      %eq3A = vector.broadcast %scan3A_21 : i32 to vector<8x1024xi32>
      %eq3A_26 = arith.cmpi eq, %iota3A_8, %eq3A : vector<8x1024xi32>
      %get3A_27 = arith.constant 0 : index
      %get3A_28 = arith.constant 0 : index
      %get3A_29 = vector.load %arg3[%get3A_27, %get3A_28] : memref<8x1024xi32, #tpu.memory_space<vmem>>, vector<8x1024xi32>
      %select_n3A = arith.select %eq3A_26, %broadcast_in_dim3A_25, %get3A_29 : vector<8x1024xi1>, vector<8x1024xi32>
      %swap3A_30 = arith.constant 0 : index
      %swap3A_31 = arith.constant 0 : index
      %swap3A_32 = vector.load %arg3[%swap3A_30, %swap3A_31] : memref<8x1024xi32, #tpu.memory_space<vmem>>, vector<8x1024xi32>
      tpu.vector_store %arg3[%swap3A_30, %swap3A_31], %select_n3A {strides = array<i32>} : memref<8x1024xi32, #tpu.memory_space<vmem>>, vector<8x1024xi32>,
      %broadcast_in_dim3A_33 = vector.shape_cast %scan3A_23 : vector<8x1xi32> to vector<8x1xi32>
      %broadcast_in_dim3A_34 = vector.broadcast %broadcast_in_dim3A_33 : vector<8x1xi32> to vector<8x4096xi32>
      %eq3A_35 = arith.cmpi eq, %iota3A, %broadcast_in_dim3A_34 : vector<8x4096xi32>
      %jit3A = arith.constant 0.000000e+00 : f32
      %broadcast_in_dim3A_36 = vector.broadcast %jit3A : f32 to vector<8x4096xf32>
      %select_n3A_37 = arith.select %eq3A_35, %get3A_1, %broadcast_in_dim3A_36 : vector<8x4096xi1>, vector<8x4096xf32>
      %reduce_sum3A = arith.constant dense<0.000000e+00> : vector<8xf32>
      %reduce_sum3A_38 = vector.multi_reduction <add>, %select_n3A_37, %reduce_sum3A [1] : vector<8x4096xf32> to vector<8xf32>
      %broadcast_in_dim3A_39 = vector.shape_cast %reduce_sum3A_38 : vector<8xf32> to vector<8x1xf32>
      %jit3A_40 = arith.constant 0.000000e+00 : f32
      %broadcast_in_dim3A_41 = vector.broadcast %jit3A_40 : f32 to vector<8x4096xf32>
      %select_n3A_42 = arith.select %eq3A_35, %get3A_4, %broadcast_in_dim3A_41 : vector<8x4096xi1>, vector<8x4096xf32>
      %reduce_sum3A_43 = arith.constant dense<0.000000e+00> : vector<8xf32>
      %reduce_sum3A_44 = vector.multi_reduction <add>, %select_n3A_42, %reduce_sum3A_43 [1] : vector<8x4096xf32> to vector<8xf32>
      %broadcast_in_dim3A_45 = vector.shape_cast %reduce_sum3A_44 : vector<8xf32> to vector<8x1xf32>
      %jit3A_46 = arith.constant 0.000000e+00 : f32
      %broadcast_in_dim3A_47 = vector.broadcast %jit3A_46 : f32 to vector<8x4096xf32>
      %select_n3A_48 = arith.select %eq3A_35, %get3A_7, %broadcast_in_dim3A_47 : vector<8x4096xi1>, vector<8x4096xf32>
      %reduce_sum3A_49 = arith.constant dense<0.000000e+00> : vector<8xf32>
      %reduce_sum3A_50 = vector.multi_reduction <add>, %select_n3A_48, %reduce_sum3A_49 [1] : vector<8x4096xf32> to vector<8xf32>
      %broadcast_in_dim3A_51 = vector.shape_cast %reduce_sum3A_50 : vector<8xf32> to vector<8x1xf32>
      %sub3A = vector.broadcast %broadcast_in_dim3A_39 : vector<8x1xf32> to vector<8x4096xf32>
      %sub3A_52 = arith.subf %get3A_1, %sub3A : vector<8x4096xf32>
      %integer_pow3A = arith.mulf %sub3A_52, %sub3A_52 : vector<8x4096xf32>
      %sub3A_53 = vector.broadcast %broadcast_in_dim3A_45 : vector<8x1xf32> to vector<8x4096xf32>
      %sub3A_54 = arith.subf %get3A_4, %sub3A_53 : vector<8x4096xf32>
      %integer_pow3A_55 = arith.mulf %sub3A_54, %sub3A_54 : vector<8x4096xf32>
      %add3A = arith.addf %integer_pow3A, %integer_pow3A_55 : vector<8x4096xf32>
      %sub3A_56 = vector.broadcast %broadcast_in_dim3A_51 : vector<8x1xf32> to vector<8x4096xf32>
      %sub3A_57 = arith.subf %get3A_7, %sub3A_56 : vector<8x4096xf32>
      %integer_pow3A_58 = arith.mulf %sub3A_57, %sub3A_57 : vector<8x4096xf32>
      %add3A_59 = arith.addf %add3A, %integer_pow3A_58 : vector<8x4096xf32>
      %min3A = arith.minimumf %scan3A_22, %add3A_59 : vector<8x4096xf32>
      %reduce_max3A = arith.constant dense<0xFF800000> : vector<8xf32>
      %reduce_max3A_60 = vector.multi_reduction <maximumf>, %min3A, %reduce_max3A [1] : vector<8x4096xf32> to vector<8xf32>
      %broadcast_in_dim3A_61 = vector.shape_cast %reduce_max3A_60 : vector<8xf32> to vector<8x1xf32>
      %eq3A_62 = vector.broadcast %broadcast_in_dim3A_61 : vector<8x1xf32> to vector<8x4096xf32>
      %eq3A_63 = arith.cmpf oeq, %min3A, %eq3A_62 : vector<8x4096xf32>
      %jit3A_64 = arith.constant 4096 : i32
      %broadcast_in_dim3A_65 = vector.broadcast %jit3A_64 : i32 to vector<8x4096xi32>
      %select_n3A_66 = arith.select %eq3A_63, %iota3A, %broadcast_in_dim3A_65 : vector<8x4096xi1>, vector<8x4096xi32>
      %reduce_min3A = arith.constant dense<2147483647> : vector<8xi32>
      %reduce_min3A_67 = vector.multi_reduction <minsi>, %select_n3A_66, %reduce_min3A [1] : vector<8x4096xi32> to vector<8xi32>
      %broadcast_in_dim3A_68 = vector.shape_cast %reduce_min3A_67 : vector<8xi32> to vector<8x1xi32>
      scf.yield %min3A, %broadcast_in_dim3A_68 : vector<8x4096xf32>, vector<8x1xi32>
    }
    %scan3A_20 = arith.constant 1024 : i32
    return
  }
}

module attributes {stable_mosaic.version = 14 : i64} {
  func.func @_mm_bias_kernel(%arg0: i32, %arg1: memref<1024x128xf32, #tpu.memory_space<vmem>>, %arg2: memref<128x128xf32, #tpu.memory_space<vmem>>, %arg3: memref<1x128xf32, #tpu.memory_space<vmem>>, %arg4: memref<1024x128xf32, #tpu.memory_space<vmem>>) attributes {dimension_semantics = [#tpu.dimension_semantics<arbitrary>], iteration_bounds = array<i64: 32>, scalar_prefetch = 0 : i64, scratch_operands = 0 : i64, tpu.core_type = #tpu.core_type<tc>, window_params = [{transform_indices = @transform_0, window_bounds = array<i64: 1024, 128>}, {pipeline_mode = #tpu.pipeline_mode<synchronous>, transform_indices = @transform_1, window_bounds = array<i64: 128, 128>}, {pipeline_mode = #tpu.pipeline_mode<synchronous>, transform_indices = @transform_2, window_bounds = array<i64: 1, 128>}, {transform_indices = @transform_3, window_bounds = array<i64: 1024, 128>}]} {
    %get3A = arith.constant 0 : index
    %get3A_0 = arith.constant 0 : index
    %get3A_1 = vector.load %arg1[%get3A, %get3A_0] : memref<1024x128xf32, #tpu.memory_space<vmem>>, vector<1024x128xf32>
    %get3A_2 = arith.constant 0 : index
    %get3A_3 = arith.constant 0 : index
    %get3A_4 = vector.load %arg2[%get3A_2, %get3A_3] : memref<128x128xf32, #tpu.memory_space<vmem>>, vector<128x128xf32>
    %dot_general3A = arith.constant dense<0.000000e+00> : vector<1024x128xf32>
    %dot_general3A_5 = tpu.matmul %get3A_1, %get3A_4, %dot_general3A {dimension_numbers = #tpu.dot_dimension_numbers<[1], [0], [0], [1], [0, 0, 1, 1], [], []>, transpose_lhs_hint = false} : vector<1024x128xf32>, vector<128x128xf32>, vector<1024x128xf32> -> vector<1024x128xf32>
    %get3A_6 = arith.constant 0 : index
    %get3A_7 = arith.constant 0 : index
    %get3A_8 = vector.load %arg3[%get3A_6, %get3A_7] : memref<1x128xf32, #tpu.memory_space<vmem>>, vector<1x128xf32>
    %add3A = vector.broadcast %get3A_8 : vector<1x128xf32> to vector<1024x128xf32>
    %add3A_9 = arith.addf %dot_general3A_5, %add3A : vector<1024x128xf32>
    %swap3A = arith.constant 0 : index
    %swap3A_10 = arith.constant 0 : index
    %swap3A_11 = vector.load %arg4[%swap3A, %swap3A_10] : memref<1024x128xf32, #tpu.memory_space<vmem>>, vector<1024x128xf32>
    tpu.vector_store %arg4[%swap3A, %swap3A_10], %add3A_9 {strides = array<i32>} : memref<1024x128xf32, #tpu.memory_space<vmem>>, vector<1024x128xf32>,
    return
  }
  func.func @transform_0(%arg0: i32) -> (i32, i32) {
    %c0_i32 = arith.constant 0 : i32
    %c0_i32_0 = arith.constant 0 : i32
    return %arg0, %c0_i32 : i32, i32
  }
  func.func @transform_1(%arg0: i32) -> (i32, i32) {
    %c0_i32 = arith.constant 0 : i32
    %c0_i32_0 = arith.constant 0 : i32
    %c0_i32_1 = arith.constant 0 : i32
    return %c0_i32, %c0_i32_0 : i32, i32
  }
  func.func @transform_2(%arg0: i32) -> (i32, i32) {
    %c0_i32 = arith.constant 0 : i32
    %c0_i32_0 = arith.constant 0 : i32
    %c0_i32_1 = arith.constant 0 : i32
    return %c0_i32, %c0_i32_0 : i32, i32
  }
  func.func @transform_3(%arg0: i32) -> (i32, i32) {
    %c0_i32 = arith.constant 0 : i32
    %c0_i32_0 = arith.constant 0 : i32
    return %arg0, %c0_i32 : i32, i32
  }
}

module attributes {stable_mosaic.version = 14 : i64} {
  func.func @_bn_relu_mm_kernel(%arg0: i32, %arg1: memref<1024x128xf32, #tpu.memory_space<vmem>>, %arg2: memref<1x128xf32, #tpu.memory_space<vmem>>, %arg3: memref<1x128xf32, #tpu.memory_space<vmem>>, %arg4: memref<128x128xf32, #tpu.memory_space<vmem>>, %arg5: memref<1x128xf32, #tpu.memory_space<vmem>>, %arg6: memref<1024x128xf32, #tpu.memory_space<vmem>>) attributes {dimension_semantics = [#tpu.dimension_semantics<arbitrary>], iteration_bounds = array<i64: 32>, scalar_prefetch = 0 : i64, scratch_operands = 0 : i64, tpu.core_type = #tpu.core_type<tc>, window_params = [{transform_indices = @transform_0, window_bounds = array<i64: 1024, 128>}, {pipeline_mode = #tpu.pipeline_mode<synchronous>, transform_indices = @transform_1, window_bounds = array<i64: 1, 128>}, {pipeline_mode = #tpu.pipeline_mode<synchronous>, transform_indices = @transform_2, window_bounds = array<i64: 1, 128>}, {pipeline_mode = #tpu.pipeline_mode<synchronous>, transform_indices = @transform_3, window_bounds = array<i64: 128, 128>}, {pipeline_mode = #tpu.pipeline_mode<synchronous>, transform_indices = @transform_4, window_bounds = array<i64: 1, 128>}, {transform_indices = @transform_5, window_bounds = array<i64: 1024, 128>}]} {
    %get3A = arith.constant 0 : index
    %get3A_0 = arith.constant 0 : index
    %get3A_1 = vector.load %arg1[%get3A, %get3A_0] : memref<1024x128xf32, #tpu.memory_space<vmem>>, vector<1024x128xf32>
    %get3A_2 = arith.constant 0 : index
    %get3A_3 = arith.constant 0 : index
    %get3A_4 = vector.load %arg2[%get3A_2, %get3A_3] : memref<1x128xf32, #tpu.memory_space<vmem>>, vector<1x128xf32>
    %mul3A = vector.broadcast %get3A_4 : vector<1x128xf32> to vector<1024x128xf32>
    %mul3A_5 = arith.mulf %get3A_1, %mul3A : vector<1024x128xf32>
    %get3A_6 = arith.constant 0 : index
    %get3A_7 = arith.constant 0 : index
    %get3A_8 = vector.load %arg3[%get3A_6, %get3A_7] : memref<1x128xf32, #tpu.memory_space<vmem>>, vector<1x128xf32>
    %add3A = vector.broadcast %get3A_8 : vector<1x128xf32> to vector<1024x128xf32>
    %add3A_9 = arith.addf %mul3A_5, %add3A : vector<1024x128xf32>
    %max3A = arith.constant 0.000000e+00 : f32
    %max3A_10 = vector.broadcast %max3A : f32 to vector<1024x128xf32>
    %max3A_11 = arith.maximumf %add3A_9, %max3A_10 : vector<1024x128xf32>
    %get3A_12 = arith.constant 0 : index
    %get3A_13 = arith.constant 0 : index
    %get3A_14 = vector.load %arg4[%get3A_12, %get3A_13] : memref<128x128xf32, #tpu.memory_space<vmem>>, vector<128x128xf32>
    %dot_general3A = arith.constant dense<0.000000e+00> : vector<1024x128xf32>
    %dot_general3A_15 = tpu.matmul %max3A_11, %get3A_14, %dot_general3A {dimension_numbers = #tpu.dot_dimension_numbers<[1], [0], [0], [1], [0, 0, 1, 1], [], []>, transpose_lhs_hint = false} : vector<1024x128xf32>, vector<128x128xf32>, vector<1024x128xf32> -> vector<1024x128xf32>
    %get3A_16 = arith.constant 0 : index
    %get3A_17 = arith.constant 0 : index
    %get3A_18 = vector.load %arg5[%get3A_16, %get3A_17] : memref<1x128xf32, #tpu.memory_space<vmem>>, vector<1x128xf32>
    %add3A_19 = vector.broadcast %get3A_18 : vector<1x128xf32> to vector<1024x128xf32>
    %add3A_20 = arith.addf %dot_general3A_15, %add3A_19 : vector<1024x128xf32>
    %swap3A = arith.constant 0 : index
    %swap3A_21 = arith.constant 0 : index
    %swap3A_22 = vector.load %arg6[%swap3A, %swap3A_21] : memref<1024x128xf32, #tpu.memory_space<vmem>>, vector<1024x128xf32>
    tpu.vector_store %arg6[%swap3A, %swap3A_21], %add3A_20 {strides = array<i32>} : memref<1024x128xf32, #tpu.memory_space<vmem>>, vector<1024x128xf32>,
    return
  }
  func.func @transform_0(%arg0: i32) -> (i32, i32) {
    %c0_i32 = arith.constant 0 : i32
    %c0_i32_0 = arith.constant 0 : i32
    return %arg0, %c0_i32 : i32, i32
  }
  func.func @transform_1(%arg0: i32) -> (i32, i32) {
    %c0_i32 = arith.constant 0 : i32
    %c0_i32_0 = arith.constant 0 : i32
    %c0_i32_1 = arith.constant 0 : i32
    return %c0_i32, %c0_i32_0 : i32, i32
  }
  func.func @transform_2(%arg0: i32) -> (i32, i32) {
    %c0_i32 = arith.constant 0 : i32
    %c0_i32_0 = arith.constant 0 : i32
    %c0_i32_1 = arith.constant 0 : i32
    return %c0_i32, %c0_i32_0 : i32, i32
  }
  func.func @transform_3(%arg0: i32) -> (i32, i32) {
    %c0_i32 = arith.constant 0 : i32
    %c0_i32_0 = arith.constant 0 : i32
    %c0_i32_1 = arith.constant 0 : i32
    return %c0_i32, %c0_i32_0 : i32, i32
  }
  func.func @transform_4(%arg0: i32) -> (i32, i32) {
    %c0_i32 = arith.constant 0 : i32
    %c0_i32_0 = arith.constant 0 : i32
    %c0_i32_1 = arith.constant 0 : i32
    return %c0_i32, %c0_i32_0 : i32, i32
  }
  func.func @transform_5(%arg0: i32) -> (i32, i32) {
    %c0_i32 = arith.constant 0 : i32
    %c0_i32_0 = arith.constant 0 : i32
    return %arg0, %c0_i32 : i32, i32
  }
}

</mosaic_0001>

<sc_bundles>
// kernel: gather_offload_async_start.1
scs
__scs_entry_jumppad:
0x0: {  	(pc) =	sbr.rel $0x88, $3  }
0x1: {  	(tag) =	ssettag $0x0;
	lr =	simm.s32 $0x1  }
0x2: {  	[smem:$0x3F45] =	sst lr;
	_ =	strace $0xD0000000  }
0x3: {  	_ = 	snop  }
0x4: {  	_ = 	snop  }
0x5: {  	_ = 	snop  }
0x6: {  	_ = 	snop  }
0x7: {  	_ = 	snop  }
__scs_overlays_trampoline_lowered:
0x8: {  	[smem:$0x3F54] =	sst s0  }
0x9: {  	[smem:$0x3F55] =	sst s1  }
0xa: {  	[smem:$0x3F56] =	sst s2  }
0xb: {  	[smem:$0x3F57] =	sst s3  }
0xc: {  	[smem:$0x3F58] =	sst s4  }
0xd: {  	[smem:$0x3F59] =	sst s5  }
0xe: {  	[smem:$0x3F5A] =	sst s6  }
0xf: {  	[smem:$0x3F5B] =	sst s7  }
0x10: {  	[smem:$0x3F5C] =	sst s8  }
0x11: {  	[smem:$0x3F5D] =	sst s9;
	s0 =	simm.s32 @!p0 $0x0  }
0x12: {  	s1 =	sld [smem:$0x3F43];
	s0 =	simm.s32 @p0 $0x1  }
0x13: {  	[smem:$0x3F5E] =	sst s0;
	s0 =	simm.s32 @!p1 $0x0  }
0x14: {  	s2 =	sld [smem:$0x3F42];
	s0 =	simm.s32 @p1 $0x1  }
0x15: {  	[smem:$0x3F5F] =	sst s0;
	s0 =	simm.s32 @!p2 $0x0  }
0x16: {  	s3 =	sld [smem:$0x3FDB];
	s0 =	simm.s32 @p2 $0x1  }
0x17: {  	s4 =	simm.s32 $0x1BF5;
	[smem:$0x3F61] =	sst s0  }
0x18: {  	s0 =	sld [smem:$0x3F44];
	_ =	swait.ge [sflag:s4], $0x0  }
0x19: {  	s7 =	sld [smem:$0x3F45]  }
0x1a: {  	s8 =	sadd.s32 $0xFFFFE003, lr  }
0x1b: {  	s9 =	sadd.s32 $0xFFFFFEF7, lr;
	s5 =	simm.s32 $0xFFFFFFFF;
	p2 =	slt.u32 s8, $0xFFFFF086  }
0x1c: {  	p1 =	slt.u32 s9, $0xF7A;
	s5 =	simm.s32 @!p2 $0x0  }
0x1d: {  	s5 =	simm.s32 @p1 $0x1;
	p0 =	seq.s32 s7, s2  }
0x1e: {  	s7 =	smul.u32 @!p0 $0xF7A, s2;
	p2 =	seq.s32 @!p0 s5, $0x0  }
0x1f: {  	s9 =	smul.u32 $0xF7A, s1;
	s8 =	simm.s32 @!p0 $0x1BF5;
	p2 =	por !p2, p0  }
0x20: {  	[sflag:s8] =	ssyncset.s32 @!p0 $0xFFFFF086;
	s6 =	sadd.s32 @!p0 s3, s7;
	s7 =	simm.s32 @!p0 $0x108  }
0x21: {  	s3 =	sadd.s32 s3, s9;
	s6 =	sadd.s32 @!p0 $0x88, s6;
	s7 =	simm.s32 @p2 $0x1082  }
0x22: {  	[simem:s7], [sflag:s8] =	dma.local @!p0 [hbm:s6], $0xF7A  }
0x23: {  	s9 =	sor.u32 $0xD0000000, s2;
	s6 =	simm.s32 $0x108;
	_ =	swait.ge @!p0 [sflag:s8], $0x0  }
0x24: {  	s3 =	sadd.s32 $0x88, s3;
	s6 =	simm.s32 @!p1 $0x1082;
	[sflag:s4] =	ssyncset.s32 $0xFFFFF086  }
0x25: {  	[simem:s6], [sflag:s4] =	dma.local [hbm:s3], $0xF7A  }
0x26: {  	[smem:$0x3F45] =	sst s1;
	(tag) =	ssettag s2;
	_ =	strace s9  }
0x27: {  	s1 =	sld [smem:$0x3F55]  }
0x28: {  	s2 =	sld [smem:$0x3F56]  }
0x29: {  	s4 =	sld [smem:$0x3F58]  }
0x2a: {  	p0 =	seq.s32 s5, $0x0;
	s5 =	sld [smem:$0x3F59]  }
0x2b: {  	s6 =	sld [smem:$0x3F5A]  }
0x2c: {  	s7 =	sld [smem:$0x3F5B]  }
0x2d: {  	s3 =	simm.s32 $0x108;
	s8 =	sld [smem:$0x3F5C]  }
0x2e: {  	s3 =	simm.s32 @!p0 $0x1082;
	s9 =	sld [smem:$0x3F5D]  }
0x2f: {  	lr =	sadd.s32 s0, s3;
	s0 =	sld [smem:$0x3F54]  }
0x30: {  	s3 =	sld [smem:$0x3F57]  }
0x31: {  	[smem:$0x3F60] =	sst s10  }
0x32: {  	s10 =	sld [smem:$0x3F5E];
	_ =	sdelay $0x3  }
0x33: {  	p0 =	seq.s32 s10, $0x1;
	s10 =	sld [smem:$0x3F60];
	_ =	sdelay $0x3  }
0x34: {  	[smem:$0x3F60] =	sst s10  }
0x35: {  	s10 =	sld [smem:$0x3F5F];
	_ =	sdelay $0x3  }
0x36: {  	p1 =	seq.s32 s10, $0x1;
	s10 =	sld [smem:$0x3F60];
	_ =	sdelay $0x3  }
0x37: {  	[smem:$0x3F60] =	sst s10  }
0x38: {  	s10 =	sld [smem:$0x3F61]  }
0x39: {  	_ = 	snop;
	(pc) =	sbr.ind lr, $3  }
0x3a: {  	_ = 	snop  }
0x3b: {  	_ = 	snop  }
0x3c: {  	p2 =	seq.s32 s10, $0x1;
	s10 =	sld [smem:$0x3F60]  }
0x3d: {  	_ =	shalt  }
0x3e: {  	_ =	shalt  }
0x3f: {  	_ =	shalt  }
0x40: {  	_ =	shalt  }
0x41: {  	_ =	shalt  }
0x42: {  	_ =	shalt  }
0x43: {  	_ =	shalt  }
0x44: {  	_ =	shalt  }
0x45: {  	_ =	shalt  }
0x46: {  	_ =	shalt  }
0x47: {  	_ =	shalt  }
0x48: {  	_ =	shalt  }
0x49: {  	_ =	shalt  }
0x4a: {  	_ =	shalt  }
0x4b: {  	_ =	shalt  }
0x4c: {  	_ =	shalt  }
0x4d: {  	_ =	shalt  }
0x4e: {  	_ =	shalt  }
0x4f: {  	_ =	shalt  }
0x50: {  	_ =	shalt  }
0x51: {  	_ =	shalt  }
0x52: {  	_ =	shalt  }
0x53: {  	_ =	shalt  }
0x54: {  	_ =	shalt  }
0x55: {  	_ =	shalt  }
0x56: {  	_ =	shalt  }
0x57: {  	_ =	shalt  }
0x58: {  	_ =	shalt  }
0x59: {  	_ =	shalt  }
0x5a: {  	_ =	shalt  }
0x5b: {  	_ =	shalt  }
0x5c: {  	_ =	shalt  }
0x5d: {  	_ =	shalt  }
0x5e: {  	_ =	shalt  }
0x5f: {  	_ =	shalt  }
0x60: {  	_ =	shalt  }
0x61: {  	_ =	shalt  }
0x62: {  	_ =	shalt  }
0x63: {  	_ =	shalt  }
0x64: {  	_ =	shalt  }
0x65: {  	_ =	shalt  }
0x66: {  	_ =	shalt  }
0x67: {  	_ =	shalt  }
0x68: {  	_ =	shalt  }
0x69: {  	_ =	shalt  }
0x6a: {  	_ =	shalt  }
0x6b: {  	_ =	shalt  }
0x6c: {  	_ =	shalt  }
0x6d: {  	_ =	shalt  }
0x6e: {  	_ =	shalt  }
0x6f: {  	_ =	shalt  }
0x70: {  	_ =	shalt  }
0x71: {  	_ =	shalt  }
0x72: {  	_ =	shalt  }
0x73: {  	_ =	shalt  }
0x74: {  	_ =	shalt  }
0x75: {  	_ =	shalt  }
0x76: {  	_ =	shalt  }
0x77: {  	_ =	shalt  }
0x78: {  	_ =	shalt  }
0x79: {  	_ =	shalt  }
0x7a: {  	_ =	shalt  }
0x7b: {  	_ =	shalt  }
0x7c: {  	_ =	shalt  }
0x7d: {  	_ =	shalt  }
0x7e: {  	_ =	shalt  }
0x7f: {  	_ =	shalt  }
0x80: {  	_ =	shalt  }
0x81: {  	_ =	shalt  }
0x82: {  	_ =	shalt  }
0x83: {  	_ =	shalt  }
0x84: {  	_ =	shalt  }
0x85: {  	_ =	shalt  }
0x86: {  	_ =	shalt  }
0x87: {  	_ =	shalt  }
.Lfunc_end0:
.L_simem_size_0:
called_computation.1_lowered:
.L_overlay_start_0:
0x88: {  	s2 =	sld [smem:$0x3FD9]  }
0x89: {  	s3 =	sld [smem:$0x3FFE];
	_ =	sdelay $0x1  }
0x8a: {  	s1 =	srdreg.scid  }
0x8b: {  	s0 =	sand.u32 $0x1, s1  }
0x8c: {  	s16 =	sshll.u32 s0, $0xA;
	s2 =	sadd.s32 s3, s2  }
0x8d: {  	s2 =	sadd.s32 s2, s16  }
0x8e: {  	[smem:$0x3F6C] =	sst s2  }
0x8f: {  	_ = 	snop  }
0x90: {  	(tm) =	ssettm $0x1  }
0x91: {  	s17 =	sld [smem:$0x3FFB];
	_ =	sdelay $0x3  }
0x92: {  	_ =	strace s17  }
0x93: {  	s2 =	sld [smem:$0x3FFC];
	_ =	sdelay $0x3  }
0x94: {  	_ =	strace s2  }
0x95: {  	s2 =	sld [smem:$0x3FFD];
	_ =	sdelay $0x3  }
0x96: {  	_ =	strace s2  }
0x97: {  	_ =	strace $0x8FFFFFFF  }
0x98: {  	s18 =	sld [smem:$0x3FDB];
	_ =	sdelay $0x1  }
0x99: {  	s19 =	simm.s32 $_scs_section_size  }
0x9a: {  	s4 =	simm.s32 $_size__tile_overlayer_lowered;
	s5 =	simm.s32 $_tile_overlayer_lowered  }
0x9b: {  	s22 =	simm.s32 $0x1BFF;
	s21 =	sshll.u32 s5, $0x1;
	s2 =	sadd.s32 s19, s18  }
0x9c: {  	s6 =	simm.s32 $0x0;
	s20 =	sshll.u32 s4, $0x1;
	s4 =	sadd.s32 s21, s2  }
0x9d: {  	[timem:s6], [sflag:s22] =	dma.local [hbm:s4], s20  }
0x9e: {  	_ =	swait.ge [sflag:s22], s20  }
0x9f: {  	s3 =	ssub.s32 $0x0, s20;
	[sflag:s22] =	ssyncset.done $0x0  }
0xa0: {  	[sflag:s22] =	ssyncadd.s32 s3;
	_ =	sdelay $0x1  }
0xa1: {  	s23 =	simm.s32 $0x1B8B  }
0xa2: {  	_ =	swait.ge [sflag:s23], $0x1  }
0xa3: {  	[sflag:s23] =	ssyncset.done $0x0  }
0xa4: {  	s25 =	simm.s32 $0x1B8E;
	s24 =	sld [smem:$0x3FFE];
	[sflag:s23] =	ssyncadd.s32 $0xFFFFFFFF  }
0xa5: {  	s26 =	simm.s32 $execute0_lowered;
	[smem:$0x3FD2] =	sst s25  }
0xa6: {  	s4 =	sshll.u32 s26, $0x1;
	_ =	strace $0x8000004C;
	[dreg:$0x1] =	wrdreg $0xFFFFFFFF  }
0xa7: {  	s28 =	simm.s32 $_size_execute0_lowered;
	s2 =	sadd.s32 s2, s4;
	[dreg:$0x0] =	wrdreg $0x0  }
0xa8: {  	s4 =	sshll.u32 s28, $0x1;
	[dreg:$0x2] =	wrdreg s2  }
0xa9: {  	[dreg:$0x3] =	wrdreg s4  }
0xaa: {  	[dreg:$0x4] =	wrdreg $0xC0  }
0xab: {  	_ =	task [dreg:s6], $0x5FFFF  }
0xac: {  	[dreg:$0x1] =	wrdreg $0xFFFFFFFF  }
0xad: {  	[dreg:$0x0] =	wrdreg $0x60  }
0xae: {  	[dreg:$0x2] =	wrdreg s24  }
0xaf: {  	[dreg:$0x3] =	wrdreg $0x9  }
0xb0: {  	_ =	task.clear_ibuf [dreg:s6], $0x4FFFF;
	_ =	strace $0x9000004C  }
0xb1: {  	s29 =	simm.s32 $0x9;
	_ =	strace $0x8000004E  }
0xb2: {  	_ =	swait.ge [sflag:s29], $0x1  }
0xb3: {  	[sflag:s29] =	ssyncadd.s32 $0xFFFFFFFF  }
0xb4: {  	_ =	strace $0x9000004E  }
0xb5: {  	_ =	sfence  }
0xb6: {  	s30 =	sld [smem:$0x0];
	_ =	sdelay $0x2  }
0xb7: {  	s31 =	sshll.u32 s1, $0xD;
	s1 =	sshrl.u32 s1, $0x2  }
0xb8: {  	s3 =	sand.u32 $0x4000, s31;
	s1 =	sadd.s32 s1, s30  }
0xb9: {  	s0 =	sor.u32 s3, s0;
	s1 =	sshll.u32 s1, $0x11  }
0xba: {  	s0 =	sor.u32 s1, s0  }
0xbb: {  	s0 =	sadd.s32 $0x8F2B, s0  }
0xbc: {  	[sflag:s0] =	ssyncadd.remote.s32 $0x1  }
0xbd: {  	_ =	sfence.sel $0xFFFF  }
0xbe: {  	[dreg:$0x0] =	wrdreg $0xFFFFFFFF;
	(pc) =	sbr.abs _section_cstart, $3  }
0xbf: {  	[dreg:$0x1] =	wrdreg $0xFFFFFFFF  }
0xc0: {  	_ =	task.clear_ibuf [dreg:s6], $0x2FFFF;
	_ =	strace $0x9FFFFFFF  }
0xc1: {  	(tm) =	ssettm $0x7FFFFFFF  }
tec
execute0_lowered:
.L_overlay_start_1:
0x0: {  	(tag) =	ssettag $0x1  }
0x1: {  	s7 =	rddreg [dreg:$0x0]  }
0x2: {  	s0 =	rddreg [dreg:$0x1];
	_ =	strace $0x8000004D  }
0x3: {  	s1 =	srdreg.scid;
	s4 =	simm.s32 $0x1;
	s9 =	simm.s32 $0x3  }
0x4: {  	s12 =	simm.s32 $0x0;
	s10 =	simm.s32 $0x0;
	s5 =	sshll.u32 s1, $0x4  }
.Ltmp0:
0x5: {  	s1 =	stileid.u32;
	s5 =	sand.u32 $0x10, s5;
	(pc) =	sbr.rel .LBB2_1-.Ltmp0, $4  }
0x6: {  	s2 =	sadd.s32 $0x81200, s7;
	s3 =	sadd.s32 $0xE5200, s7;
	s6 =	sor.u32 s1, s5  }
0x7: {  	[sflag:s4] =	ssyncpa.u1 $0x0;
	s5 =	simm.s32 $0x2;
	s6 =	sshll.u32 s6, $0x6  }
0x8: {  	s7 =	sadd.s32 $0xB6C00, s7;
	[sflag:s5] =	ssyncpa.u1 $0x0;
	s8 =	sadd.s32 $0x40, s6  }
0x9: {  	vm0 =	vmmov $0xff;
	vm1 =	vcmask $0x3F20;
	[sflag:s9] =	ssyncpa.u1 $0x0;
	s9 =	simm.s32 $0x40;
	s11 =	smov.u32 s6  }
.LBB2_9:
0xa: {  	p0 =	seq.s32 s10, $0x2  }
.Ltmp1:
0xb: {  	_ = 	snop;
	(pc) =	sbr.rel @p0 .LBB2_11-.Ltmp1, $1  }
0xc: {  	_ =	sdelay $0x3  }
.LBB2_10:
0xd: {  	s12 =	sadd.s32 $0x40, s11  }
0xe: {  	s13 =	smov.u32 s6;
	p0 =	slt.s32 s12, s8  }
0xf: {  	s13 =	smov.u32 @p0 s12  }
0x10: {  	s10 =	sadd.s32 $0x1, s10;
	s12 =	smov.u32 s11;
	s11 =	smov.u32 s13  }
.LBB2_1:
0x11: {  	p0 =	sne.s32 s10, $0x0  }
.Ltmp2:
0x12: {  	_ = 	snop;
	(pc) =	sbr.rel @!p0 .LBB2_2-.Ltmp2, $1  }
0x13: {  	_ =	sdelay $0x3  }
0x14: {  	s13 =	sand.u32 $0x1, s10  }
0x15: {  	p0 =	seq.s32 s13, $0x0  }
.Ltmp3:
0x16: {  	_ = 	snop;
	(pc) =	sbr.rel @p0 .LBB2_9-.Ltmp3, $1  }
0x17: {  	_ =	sdelay $0x3  }
0x18: {  	_ =	swait.ge [sflag:s5], $0x40  }
0x19: {  	[sflag:s5] =	ssyncset.done $0x0  }
0x1a: {  	s13 =	simm.s32 $0x0;
	[sflag:s5] =	ssyncadd.s32 $0xFFFFFFC0  }
0x1b: {  	v0 =	vld.msk [tilespmem:s13+$0x40 ss:$0x1], $0xffff;
	_ =	sdelay $0x4  }
0x1c: {  	v1 =	vshll.u32 v0, $0x4  }
0x1d: {  	vm2 =	veq.s32 v0, $0x80000000;
	v0 =	vshll.u32 v0, $0x11;
	v1 =	vand.u32 $0x1FF80, v1  }
0x1e: {  	v0 =	vand.u32 $0xE0000, v0;
	v1 =	vsel vm2, $0xFFFFFF80, v1  }
0x1f: {  	v0 =	vsel vm2, $0xFFFE0000, v0;
	v2 =	vand.u32 $0xFFFFFC00, v1  }
0x20: {  	v1 =	vand.u32 $0x380, v1;
	v0 =	vadd.s32 v0, v2  }
0x21: {  	v0 =	vor.u32 v1, v0  }
0x22: {  	v0 =	vshrl.u32 v0, $0x3;
	_ =	sdelay $0x3  }
0x23: {  	s13 =	simm.s32 $0x2080  }
0x24: {  	[tilespmem:s13], [sflag:$0x1] =	stream.indirect_vreg.gather [hbm:s2], $0x80, v0, vm0, $0x38;
	[tilespmem:$0x4080] =	vst v63  }
0x25: {  	s14 =	simm.s32 $0x2480;
	s31 =	simm.s32 $0x10  }
0x26: {  	[tilespmem:s14], [sflag:$0x1] =	stream.indirect_vreg.gather [hbm:s2], $0x80, v0, vm1, $0x38;
	[tilespmem:$0x4080] =	vst v63  }
0x27: {  	s14 =	simm.s32 $0x80;
	v0 =	vld.msk [tilespmem:s31+$0x40 ss:$0x1], $0xffff  }
.LBB2_5:
0x28: {  	p0 =	sne.s32 s14, $0xC0;
	_ =	sdelay $0x4  }
0x29: {  	v1 =	vshll.u32 v0, $0x4  }
0x2a: {  	vm2 =	veq.s32 v0, $0x80000000;
	v0 =	vshll.u32 v0, $0x11;
	v1 =	vand.u32 $0x1FF80, v1  }
0x2b: {  	v0 =	vand.u32 $0xE0000, v0;
	v1 =	vsel vm2, $0xFFFFFF80, v1  }
0x2c: {  	v0 =	vsel vm2, $0xFFFE0000, v0;
	v2 =	vand.u32 $0xFFFFFC00, v1  }
0x2d: {  	v1 =	vand.u32 $0x380, v1;
	v0 =	vadd.s32 v0, v2  }
0x2e: {  	v0 =	vor.u32 v1, v0  }
0x2f: {  	v0 =	vshrl.u32 v0, $0x3;
	_ =	sdelay $0x3  }
.Ltmp4:
0x30: {  	s13 =	sadd.s32 $0x800, s13;
	(pc) =	sbr.rel @p0 .LBB2_5-.Ltmp4, $4  }
0x31: {  	[tilespmem:s13], [sflag:$0x1] =	stream.indirect_vreg.gather [hbm:s2], $0x80, v0, vm0, $0x38;
	[tilespmem:$0x4080] =	vst v63  }
0x32: {  	s15 =	sshra.s32 s14, $0x2;
	s16 =	sadd.s32 $0x400, s13  }
0x33: {  	[tilespmem:s16], [sflag:$0x1] =	stream.indirect_vreg.gather [hbm:s2], $0x80, v0, vm1, $0x38;
	[tilespmem:$0x4080] =	vst v63  }
0x34: {  	s14 =	sadd.s32 $0x40, s14;
	v0 =	vld.msk [tilespmem:s15+$0x40 ss:$0x1], $0xffff  }
0x35: {  	_ =	sdelay $0x3  }
0x36: {  	v1 =	vshll.u32 v0, $0x4  }
0x37: {  	vm2 =	veq.s32 v0, $0x80000000;
	v63 =	vshll.u32 v0, $0x11;
	v1 =	vand.u32 $0x1FF80, v1  }
0x38: {  	v0 =	vand.u32 $0xE0000, v63;
	v1 =	vsel vm2, $0xFFFFFF80, v1  }
0x39: {  	v0 =	vsel vm2, $0xFFFE0000, v0;
	v2 =	vand.u32 $0xFFFFFC00, v1  }
0x3a: {  	v1 =	vand.u32 $0x380, v1;
	v0 =	vadd.s32 v0, v2  }
0x3b: {  	v0 =	vor.u32 v1, v0  }
0x3c: {  	v0 =	vshrl.u32 v0, $0x3;
	_ =	sdelay $0x3  }
0x3d: {  	s13 =	sadd.s32 $0x800, s13  }
0x3e: {  	[tilespmem:s13], [sflag:$0x1] =	stream.indirect_vreg.gather [hbm:s2], $0x80, v0, vm0, $0x38;
	[tilespmem:$0x4080] =	vst v63  }
0x3f: {  	s13 =	sadd.s32 $0x400, s13  }
0x40: {  	[tilespmem:s13], [sflag:$0x1] =	stream.indirect_vreg.gather [hbm:s2], $0x80, v0, vm1, $0x38;
	[tilespmem:$0x4080] =	vst v63  }
0x41: {  	s12 =	sshll.u32 s12, $0x4;
	s14 =	simm.s32 $0x80;
	_ =	swait.ge [sflag:s4], $0x2000  }
0x42: {  	s15 =	simm.s32 $0x2480;
	s12 =	sadd.s32 s12, s7;
	[sflag:s4] =	ssyncset.done $0x0  }
0x43: {  	s16 =	sadd.s32 $0x0, s12;
	s13 =	simm.s32 $0x2080;
	[sflag:s4] =	ssyncadd.s32 $0xFFFFE000  }
.LBB2_7:
0x44: {  	[hbm:s16] =	stream.linear.scatter [tilespmem:s13], [sflag:$0x3], $0x400, $0x38;
	[tilespmem:$0x4080] =	vst v63  }
0x45: {  	s16 =	smov.u32 s14;
	s13 =	smov.u32 s15;
	p0 =	sne.s32 s14, $0x380  }
.Ltmp5:
0x46: {  	s14 =	sadd.s32 $0x80, s14;
	(pc) =	sbr.rel @p0 .LBB2_7-.Ltmp5, $2  }
0x47: {  	_ =	sdelay $0x2  }
0x48: {  	s15 =	sadd.s32 $0x400, s15;
	s16 =	sadd.s32 s16, s12  }
.Ltmp6:
0x49: {  	(pc) =	sbr.rel .LBB2_9-.Ltmp6, $2  }
0x4a: {  	_ =	sdelay $0x2  }
0x4b: {  	[hbm:s16] =	stream.linear.scatter [tilespmem:s13], [sflag:$0x3], $0x400, $0x38;
	[tilespmem:$0x4080] =	vst v63  }
.LBB2_2:
.Ltmp7:
0x4c: {  	(pc) =	sbr.rel .LBB2_10-.Ltmp7, $4  }
0x4d: {  	_ = 	snop  }
0x4e: {  	s12 =	sshrl.u32 s11, $0x3  }
0x4f: {  	s13 =	sand.u32 $0x7, s11;
	s12 =	sadd.s32 s3, s12  }
0x50: {  	[tilespmem:s9], [sflag:$0x2] =	stream.linear.gather [hbm4b:s12+s13], $0x40, $0x38;
	[tilespmem:$0x4080] =	vst v63  }
.LBB2_11:
0x51: {  	s2 =	simm.s32 $0x3  }
0x52: {  	_ =	swait.ge [sflag:s2], $0x2000  }
0x53: {  	[sflag:s2] =	ssyncset.done $0x0  }
0x54: {  	[sflag:s2] =	ssyncadd.s32 $0xFFFFE000  }
0x55: {  	_ =	sfence.sel $0x180000  }
0x56: {  	s3 =	simm.s32 $0x2;
	[bflag:$0x0] =	sbarrier.arrive $0xFFFF  }
0x57: {  	[sflag:s3] =	ssyncpa.u1 $0x1  }
0x58: {  	s31 =	simm.s32 $0x1;
	[sflag:s2] =	ssyncpa.u1 $0x1  }
0x59: {  	[sflag:s31] =	ssyncpa.u1 $0x1  }
0x5a: {  	p0 =	sne.s32 s1, $0x0;
	_ =	strace $0x9000004D  }
0x5b: {  	s0 =	sadd.s32 @!p0 $0x100000, s0;
	[bflag:$0x2] =	sbarrier.arrive $0xFFFF  }
0x5c: {  	[sflag:s0] =	ssyncadd.tile.s32 @!p0 $0x1;
	_ =	shalt  }
.Lfunc_end2:
_tile_overlayer_lowered:
.L_overlay_start_2:
0x5d: {  	(tag) =	ssettag $0x2  }
0x5e: {  	s0 =	rddreg [dreg:$0x0];
	s2 =	stileid.u32  }
0x5f: {  	s1 =	rddreg [dreg:$0x1];
	p0 =	sne.s32 s2, $0x0  }
0x60: {  	s3 =	rddreg [dreg:$0x2];
	[bflag:$0x3] =	sbarrier.arrive $0xFFFF;
	s2 =	simm.s32 @!p0 $0x1C01  }
0x61: {  	[timem:s3], [sflag:s2] =	dma.local @!p0 [hbm:s0], s1  }
0x62: {  	s0 =	simm.s32 @!p0 $0x1  }
0x63: {  	_ =	swait.ge @!p0 [sflag:s0], s1  }
0x64: {  	s1 =	ssub.s32 @!p0 $0x0, s1;
	[sflag:s0] =	ssyncset.done @!p0 $0x0  }
0x65: {  	[sflag:s0] =	ssyncadd.s32 @!p0 s1  }
0x66: {  	[bflag:$0x3] =	sbarrier.arrive $0xFFFF  }
0x67: {  	_ =	shalt  }

// kernel: gather_offload_async_start.2
scs
__scs_entry_jumppad:
0x0: {  	(pc) =	sbr.rel $0x88, $3  }
0x1: {  	(tag) =	ssettag $0x0;
	lr =	simm.s32 $0x1  }
0x2: {  	[smem:$0x3F45] =	sst lr;
	_ =	strace $0xD0000000  }
0x3: {  	_ = 	snop  }
0x4: {  	_ = 	snop  }
0x5: {  	_ = 	snop  }
0x6: {  	_ = 	snop  }
0x7: {  	_ = 	snop  }
__scs_overlays_trampoline_lowered:
0x8: {  	[smem:$0x3F54] =	sst s0  }
0x9: {  	[smem:$0x3F55] =	sst s1  }
0xa: {  	[smem:$0x3F56] =	sst s2  }
0xb: {  	[smem:$0x3F57] =	sst s3  }
0xc: {  	[smem:$0x3F58] =	sst s4  }
0xd: {  	[smem:$0x3F59] =	sst s5  }
0xe: {  	[smem:$0x3F5A] =	sst s6  }
0xf: {  	[smem:$0x3F5B] =	sst s7  }
0x10: {  	[smem:$0x3F5C] =	sst s8  }
0x11: {  	[smem:$0x3F5D] =	sst s9;
	s0 =	simm.s32 @!p0 $0x0  }
0x12: {  	s1 =	sld [smem:$0x3F43];
	s0 =	simm.s32 @p0 $0x1  }
0x13: {  	[smem:$0x3F5E] =	sst s0;
	s0 =	simm.s32 @!p1 $0x0  }
0x14: {  	s2 =	sld [smem:$0x3F42];
	s0 =	simm.s32 @p1 $0x1  }
0x15: {  	[smem:$0x3F5F] =	sst s0;
	s0 =	simm.s32 @!p2 $0x0  }
0x16: {  	s3 =	sld [smem:$0x3FDB];
	s0 =	simm.s32 @p2 $0x1  }
0x17: {  	s4 =	simm.s32 $0x1BF5;
	[smem:$0x3F61] =	sst s0  }
0x18: {  	s0 =	sld [smem:$0x3F44];
	_ =	swait.ge [sflag:s4], $0x0  }
0x19: {  	s7 =	sld [smem:$0x3F45]  }
0x1a: {  	s8 =	sadd.s32 $0xFFFFE003, lr  }
0x1b: {  	s9 =	sadd.s32 $0xFFFFFEF7, lr;
	s5 =	simm.s32 $0xFFFFFFFF;
	p2 =	slt.u32 s8, $0xFFFFF086  }
0x1c: {  	p1 =	slt.u32 s9, $0xF7A;
	s5 =	simm.s32 @!p2 $0x0  }
0x1d: {  	s5 =	simm.s32 @p1 $0x1;
	p0 =	seq.s32 s7, s2  }
0x1e: {  	s7 =	smul.u32 @!p0 $0xF7A, s2;
	p2 =	seq.s32 @!p0 s5, $0x0  }
0x1f: {  	s9 =	smul.u32 $0xF7A, s1;
	s8 =	simm.s32 @!p0 $0x1BF5;
	p2 =	por !p2, p0  }
0x20: {  	[sflag:s8] =	ssyncset.s32 @!p0 $0xFFFFF086;
	s6 =	sadd.s32 @!p0 s3, s7;
	s7 =	simm.s32 @!p0 $0x108  }
0x21: {  	s3 =	sadd.s32 s3, s9;
	s6 =	sadd.s32 @!p0 $0x88, s6;
	s7 =	simm.s32 @p2 $0x1082  }
0x22: {  	[simem:s7], [sflag:s8] =	dma.local @!p0 [hbm:s6], $0xF7A  }
0x23: {  	s9 =	sor.u32 $0xD0000000, s2;
	s6 =	simm.s32 $0x108;
	_ =	swait.ge @!p0 [sflag:s8], $0x0  }
0x24: {  	s3 =	sadd.s32 $0x88, s3;
	s6 =	simm.s32 @!p1 $0x1082;
	[sflag:s4] =	ssyncset.s32 $0xFFFFF086  }
0x25: {  	[simem:s6], [sflag:s4] =	dma.local [hbm:s3], $0xF7A  }
0x26: {  	[smem:$0x3F45] =	sst s1;
	(tag) =	ssettag s2;
	_ =	strace s9  }
0x27: {  	s1 =	sld [smem:$0x3F55]  }
0x28: {  	s2 =	sld [smem:$0x3F56]  }
0x29: {  	s4 =	sld [smem:$0x3F58]  }
0x2a: {  	p0 =	seq.s32 s5, $0x0;
	s5 =	sld [smem:$0x3F59]  }
0x2b: {  	s6 =	sld [smem:$0x3F5A]  }
0x2c: {  	s7 =	sld [smem:$0x3F5B]  }
0x2d: {  	s3 =	simm.s32 $0x108;
	s8 =	sld [smem:$0x3F5C]  }
0x2e: {  	s3 =	simm.s32 @!p0 $0x1082;
	s9 =	sld [smem:$0x3F5D]  }
0x2f: {  	lr =	sadd.s32 s0, s3;
	s0 =	sld [smem:$0x3F54]  }
0x30: {  	s3 =	sld [smem:$0x3F57]  }
0x31: {  	[smem:$0x3F60] =	sst s10  }
0x32: {  	s10 =	sld [smem:$0x3F5E];
	_ =	sdelay $0x3  }
0x33: {  	p0 =	seq.s32 s10, $0x1;
	s10 =	sld [smem:$0x3F60];
	_ =	sdelay $0x3  }
0x34: {  	[smem:$0x3F60] =	sst s10  }
0x35: {  	s10 =	sld [smem:$0x3F5F];
	_ =	sdelay $0x3  }
0x36: {  	p1 =	seq.s32 s10, $0x1;
	s10 =	sld [smem:$0x3F60];
	_ =	sdelay $0x3  }
0x37: {  	[smem:$0x3F60] =	sst s10  }
0x38: {  	s10 =	sld [smem:$0x3F61]  }
0x39: {  	_ = 	snop;
	(pc) =	sbr.ind lr, $3  }
0x3a: {  	_ = 	snop  }
0x3b: {  	_ = 	snop  }
0x3c: {  	p2 =	seq.s32 s10, $0x1;
	s10 =	sld [smem:$0x3F60]  }
0x3d: {  	_ =	shalt  }
0x3e: {  	_ =	shalt  }
0x3f: {  	_ =	shalt  }
0x40: {  	_ =	shalt  }
0x41: {  	_ =	shalt  }
0x42: {  	_ =	shalt  }
0x43: {  	_ =	shalt  }
0x44: {  	_ =	shalt  }
0x45: {  	_ =	shalt  }
0x46: {  	_ =	shalt  }
0x47: {  	_ =	shalt  }
0x48: {  	_ =	shalt  }
0x49: {  	_ =	shalt  }
0x4a: {  	_ =	shalt  }
0x4b: {  	_ =	shalt  }
0x4c: {  	_ =	shalt  }
0x4d: {  	_ =	shalt  }
0x4e: {  	_ =	shalt  }
0x4f: {  	_ =	shalt  }
0x50: {  	_ =	shalt  }
0x51: {  	_ =	shalt  }
0x52: {  	_ =	shalt  }
0x53: {  	_ =	shalt  }
0x54: {  	_ =	shalt  }
0x55: {  	_ =	shalt  }
0x56: {  	_ =	shalt  }
0x57: {  	_ =	shalt  }
0x58: {  	_ =	shalt  }
0x59: {  	_ =	shalt  }
0x5a: {  	_ =	shalt  }
0x5b: {  	_ =	shalt  }
0x5c: {  	_ =	shalt  }
0x5d: {  	_ =	shalt  }
0x5e: {  	_ =	shalt  }
0x5f: {  	_ =	shalt  }
0x60: {  	_ =	shalt  }
0x61: {  	_ =	shalt  }
0x62: {  	_ =	shalt  }
0x63: {  	_ =	shalt  }
0x64: {  	_ =	shalt  }
0x65: {  	_ =	shalt  }
0x66: {  	_ =	shalt  }
0x67: {  	_ =	shalt  }
0x68: {  	_ =	shalt  }
0x69: {  	_ =	shalt  }
0x6a: {  	_ =	shalt  }
0x6b: {  	_ =	shalt  }
0x6c: {  	_ =	shalt  }
0x6d: {  	_ =	shalt  }
0x6e: {  	_ =	shalt  }
0x6f: {  	_ =	shalt  }
0x70: {  	_ =	shalt  }
0x71: {  	_ =	shalt  }
0x72: {  	_ =	shalt  }
0x73: {  	_ =	shalt  }
0x74: {  	_ =	shalt  }
0x75: {  	_ =	shalt  }
0x76: {  	_ =	shalt  }
0x77: {  	_ =	shalt  }
0x78: {  	_ =	shalt  }
0x79: {  	_ =	shalt  }
0x7a: {  	_ =	shalt  }
0x7b: {  	_ =	shalt  }
0x7c: {  	_ =	shalt  }
0x7d: {  	_ =	shalt  }
0x7e: {  	_ =	shalt  }
0x7f: {  	_ =	shalt  }
0x80: {  	_ =	shalt  }
0x81: {  	_ =	shalt  }
0x82: {  	_ =	shalt  }
0x83: {  	_ =	shalt  }
0x84: {  	_ =	shalt  }
0x85: {  	_ =	shalt  }
0x86: {  	_ =	shalt  }
0x87: {  	_ =	shalt  }
.Lfunc_end0:
.L_simem_size_0:
called_computation.2_lowered:
.L_overlay_start_0:
0x88: {  	s2 =	sld [smem:$0x3FD9]  }
0x89: {  	s3 =	sld [smem:$0x3FFE];
	_ =	sdelay $0x1  }
0x8a: {  	s1 =	srdreg.scid  }
0x8b: {  	s0 =	sand.u32 $0x1, s1  }
0x8c: {  	s16 =	sshll.u32 s0, $0xA;
	s2 =	sadd.s32 s3, s2  }
0x8d: {  	s2 =	sadd.s32 s2, s16  }
0x8e: {  	[smem:$0x3F6C] =	sst s2  }
0x8f: {  	_ = 	snop  }
0x90: {  	(tm) =	ssettm $0x1  }
0x91: {  	s17 =	sld [smem:$0x3FFB];
	_ =	sdelay $0x3  }
0x92: {  	_ =	strace s17  }
0x93: {  	s2 =	sld [smem:$0x3FFC];
	_ =	sdelay $0x3  }
0x94: {  	_ =	strace s2  }
0x95: {  	s2 =	sld [smem:$0x3FFD];
	_ =	sdelay $0x3  }
0x96: {  	_ =	strace s2  }
0x97: {  	_ =	strace $0x8FFFFFFF  }
0x98: {  	s18 =	sld [smem:$0x3FDB];
	_ =	sdelay $0x1  }
0x99: {  	s19 =	simm.s32 $_scs_section_size  }
0x9a: {  	s4 =	simm.s32 $_size__tile_overlayer_lowered;
	s5 =	simm.s32 $_tile_overlayer_lowered  }
0x9b: {  	s22 =	simm.s32 $0x1BFF;
	s21 =	sshll.u32 s5, $0x1;
	s2 =	sadd.s32 s19, s18  }
0x9c: {  	s6 =	simm.s32 $0x0;
	s20 =	sshll.u32 s4, $0x1;
	s4 =	sadd.s32 s21, s2  }
0x9d: {  	[timem:s6], [sflag:s22] =	dma.local [hbm:s4], s20  }
0x9e: {  	_ =	swait.ge [sflag:s22], s20  }
0x9f: {  	s3 =	ssub.s32 $0x0, s20;
	[sflag:s22] =	ssyncset.done $0x0  }
0xa0: {  	[sflag:s22] =	ssyncadd.s32 s3;
	_ =	sdelay $0x1  }
0xa1: {  	s23 =	simm.s32 $0x1B8B  }
0xa2: {  	_ =	swait.ge [sflag:s23], $0x1  }
0xa3: {  	[sflag:s23] =	ssyncset.done $0x0  }
0xa4: {  	s25 =	simm.s32 $0x1B8E;
	s24 =	sld [smem:$0x3FFE];
	[sflag:s23] =	ssyncadd.s32 $0xFFFFFFFF  }
0xa5: {  	s26 =	simm.s32 $execute0_lowered;
	[smem:$0x3FD2] =	sst s25  }
0xa6: {  	s4 =	sshll.u32 s26, $0x1;
	_ =	strace $0x8000004F;
	[dreg:$0x1] =	wrdreg $0xFFFFFFFF  }
0xa7: {  	s28 =	simm.s32 $_size_execute0_lowered;
	s2 =	sadd.s32 s2, s4;
	[dreg:$0x0] =	wrdreg $0x0  }
0xa8: {  	s4 =	sshll.u32 s28, $0x1;
	[dreg:$0x2] =	wrdreg s2  }
0xa9: {  	[dreg:$0x3] =	wrdreg s4  }
0xaa: {  	[dreg:$0x4] =	wrdreg $0xC0  }
0xab: {  	_ =	task [dreg:s6], $0x5FFFF  }
0xac: {  	[dreg:$0x1] =	wrdreg $0xFFFFFFFF  }
0xad: {  	[dreg:$0x0] =	wrdreg $0x60  }
0xae: {  	[dreg:$0x2] =	wrdreg s24  }
0xaf: {  	[dreg:$0x3] =	wrdreg $0x9  }
0xb0: {  	_ =	task.clear_ibuf [dreg:s6], $0x4FFFF;
	_ =	strace $0x9000004F  }
0xb1: {  	s29 =	simm.s32 $0x9;
	_ =	strace $0x80000051  }
0xb2: {  	_ =	swait.ge [sflag:s29], $0x1  }
0xb3: {  	[sflag:s29] =	ssyncadd.s32 $0xFFFFFFFF  }
0xb4: {  	_ =	strace $0x90000051  }
0xb5: {  	_ =	sfence  }
0xb6: {  	s30 =	sld [smem:$0x0];
	_ =	sdelay $0x2  }
0xb7: {  	s31 =	sshll.u32 s1, $0xD;
	s1 =	sshrl.u32 s1, $0x2  }
0xb8: {  	s3 =	sand.u32 $0x4000, s31;
	s1 =	sadd.s32 s1, s30  }
0xb9: {  	s0 =	sor.u32 s3, s0;
	s1 =	sshll.u32 s1, $0x11  }
0xba: {  	s0 =	sor.u32 s1, s0  }
0xbb: {  	s0 =	sadd.s32 $0x8F2B, s0  }
0xbc: {  	[sflag:s0] =	ssyncadd.remote.s32 $0x1  }
0xbd: {  	_ =	sfence.sel $0xFFFF  }
0xbe: {  	[dreg:$0x0] =	wrdreg $0xFFFFFFFF;
	(pc) =	sbr.abs _section_cstart, $3  }
0xbf: {  	[dreg:$0x1] =	wrdreg $0xFFFFFFFF  }
0xc0: {  	_ =	task.clear_ibuf [dreg:s6], $0x2FFFF;
	_ =	strace $0x9FFFFFFF  }
0xc1: {  	(tm) =	ssettm $0x7FFFFFFF  }
tec
execute0_lowered:
.L_overlay_start_1:
0x0: {  	(tag) =	ssettag $0x1  }
0x1: {  	s1 =	srdreg.scid  }
0x2: {  	s0 =	stileid.u32;
	s8 =	rddreg [dreg:$0x0];
	s5 =	simm.s32 $0x1  }
0x3: {  	s9 =	simm.s32 $0x1;
	s10 =	simm.s32 $0x3;
	s1 =	sshll.u32 s1, $0x5  }
0x4: {  	s13 =	simm.s32 $0x0;
	s2 =	sshll.u32 s0, $0x6;
	s3 =	sand.u32 $0x20, s1  }
0x5: {  	s12 =	simm.s32 $0x0;
	s4 =	sadd.s32 $0x8A000, s8;
	s2 =	sor.u32 s2, s3  }
0x6: {  	s1 =	rddreg [dreg:$0x1];
	_ =	strace $0x80000050;
	s7 =	ssub.s32 $0x600, s2  }
.Ltmp0:
0x7: {  	s3 =	sadd.s32 $0x84600, s8;
	s6 =	sand.u32 $0x3E0, s7;
	(pc) =	sbr.rel .LBB2_1-.Ltmp0, $4  }
0x8: {  	[sflag:s5] =	ssyncpa.u1 $0x0;
	s8 =	sadd.s32 $0x84400, s8;
	p0 =	sne.s32 s6, $0x0  }
0x9: {  	s7 =	sshrl.u32 s7, $0xA;
	s6 =	simm.s32 $0x2;
	s9 =	simm.s32 @!p0 $0x0  }
0xa: {  	s11 =	smov.u32 s2;
	[sflag:s6] =	ssyncpa.u1 $0x0;
	s7 =	sadd.s32 s9, s7  }
0xb: {  	vm0 =	vmmov $0xffff;
	[sflag:s10] =	ssyncpa.u1 $0x0;
	s10 =	simm.s32 $0x0;
	s9 =	sadd.s32 $0x1, s7  }
.LBB2_5:
0xc: {  	s15 =	sadd.s32 $0x400, s11  }
0xd: {  	p1 =	sgt.s32 s15, $0x5FF  }
0xe: {  	s15 =	smov.u32 @p1 s2;
	p1 =	sne.s32 s12, s9  }
.Ltmp1:
0xf: {  	p0 =	slt.u32 s12, $0x2;
	(pc) =	sbr.rel @!p1 .LBB2_6-.Ltmp1, $4  }
0x10: {  	s14 =	simm.s32 @!p0 $0x3  }
0x11: {  	_ =	swait.ge @!p0 [sflag:s14], $0x20  }
0x12: {  	s16 =	sadd.s32 $0x1, s12;
	s13 =	smov.u32 s11;
	[sflag:s14] =	ssyncset.done @!p0 $0x0  }
0x13: {  	s12 =	smov.u32 s16;
	s11 =	smov.u32 s15;
	[sflag:s14] =	ssyncadd.s32 @!p0 $0xFFFFFFE0  }
.LBB2_1:
0x14: {  	p0 =	sge.u32 s12, s7  }
0x15: {  	s14 =	sxor.u32 @!p0 $0xFFFFFFFF, s12  }
0x16: {  	s31 =	sadd.s32 $0xFFFFFFFF, s12;
	s15 =	sshrl.u32 @!p0 s11, $0x3;
	s14 =	sshll.u32 @!p0 s14, $0x5  }
0x17: {  	s16 =	sand.u32 @!p0 $0x7, s11;
	s15 =	sadd.s32 @!p0 s4, s15;
	s14 =	sand.u32 @!p0 $0x20, s14  }
0x18: {  	[tilespmem:s14], [sflag:$0x2] =	stream.linear.gather @!p0 [hbm4b:s15+s16], $0x20, $0x38;
	[tilespmem:$0x80] =	vst v63  }
0x19: {  	p0 =	sge.u32 s31, s7  }
.Ltmp2:
0x1a: {  	_ = 	snop;
	(pc) =	sbr.rel @p0 .LBB2_5-.Ltmp2, $1  }
0x1b: {  	_ =	sdelay $0x3  }
0x1c: {  	_ =	swait.ge [sflag:s6], $0x20;
	s14 =	sshll.u32 s12, $0x5;
	s16 =	simm.s32 $0x0  }
0x1d: {  	p0 =	por $0x1, $0x1;
	[sflag:s6] =	ssyncset.done $0x0;
	s15 =	sand.u32 $0x20, s14  }
0x1e: {  	[sflag:s6] =	ssyncadd.s32 $0xFFFFFFE0;
	(ifvalue) =	ssetifvalue $0x7FFFFFFF;
	s14 =	sor.u32 $0x40, s15  }
.LBB2_3:
0x1f: {  	s17 =	sadd.s32 s16, s15  }
0x20: {  	v0 =	vld.msk [tilespmem:s17+$0x0 ss:$0x1], $0xffff;
	_ =	sdelay $0x4  }
0x21: {  	vm1 =	veq.s32 v0, $0x80000000;
	v1 =	vshrl.u32 v0, $0x2  }
0x22: {  	v2 =	vshrl.u32 v0, $0x3;
	v0 =	vshll.u32 v0, $0xB;
	v1 =	vand.u32 $0x780, v1  }
0x23: {  	v2 =	vand.u32 $0x3F, v2;
	v0 =	vand.u32 $0x3800, v0;
	v1 =	vsel vm1, $0xFFFFFF80, v1  }
0x24: {  	v2 =	vsel vm1, $0xFFFFFFFF, v2;
	v0 =	vsel vm1, $0xFFFFF800, v0;
	v3 =	vand.u32 $0xFFFFFC00, v1  }
0x25: {  	v63 =	vand.u32 $0xFFFFFC00, v2;
	v0 =	vadd.s32 v0, v3  }
0x26: {  	v1 =	vand.u32 $0x380, v1;
	v0 =	vadd.s32 v63, v0  }
0x27: {  	v2 =	vand.u32 $0x7F, v2;
	v0 =	vor.u32 v1, v0  }
0x28: {  	p1 =	por p0, p0;
	v0 =	vor.u32 v2, v0  }
.Ltmp3:
0x29: {  	_ = 	snop;
	(pc) =	sbr.rel @p1 .LBB2_3-.Ltmp3, $4  }
0x2a: {  	_ = 	snop  }
0x2b: {  	s31 =	sadd.s32 s16, s14  }
0x2c: {  	s16 =	simm.s32 $0x10;
	p0 =	por $0x0, $0x0;
	(ifvalue) =	ssetifvalue $0x7FFFFFFF  }
0x2d: {  	[tilespmem:s31], [sflag:$0x1] =	stream.indirect_vreg.gather [hbm4b:s3+s10], $0x1, v0, vm0, $0x4038;
	[tilespmem:$0x80] =	vst v63  }
.Ltmp4:
0x2e: {  	(pc) =	sbr.rel .LBB2_5-.Ltmp4, $4  }
0x2f: {  	_ =	swait.ge [sflag:s5], $0x20  }
0x30: {  	s15 =	sshrl.u32 s13, $0x3;
	[sflag:s5] =	ssyncset.done $0x0  }
0x31: {  	s31 =	sand.u32 $0x7, s13;
	s15 =	sadd.s32 s8, s15;
	[sflag:s5] =	ssyncadd.s32 $0xFFFFFFE0  }
0x32: {  	[hbm4b:s15+s31] =	stream.linear.scatter [tilespmem:s14], [sflag:$0x3], $0x20, $0x38;
	[tilespmem:$0x80] =	vst v63  }
.LBB2_6:
0x33: {  	_ =	sfence.sel $0x180000  }
0x34: {  	s2 =	simm.s32 $0x2;
	[bflag:$0x0] =	sbarrier.arrive $0xFFFF  }
0x35: {  	s30 =	simm.s32 $0x3;
	[sflag:s2] =	ssyncpa.u1 $0x1  }
0x36: {  	s31 =	simm.s32 $0x1;
	[sflag:s30] =	ssyncpa.u1 $0x1  }
0x37: {  	[sflag:s31] =	ssyncpa.u1 $0x1  }
0x38: {  	p0 =	sne.s32 s0, $0x0;
	_ =	strace $0x90000050  }
0x39: {  	s0 =	sadd.s32 @!p0 $0x100000, s1;
	[bflag:$0x2] =	sbarrier.arrive $0xFFFF  }
0x3a: {  	[sflag:s0] =	ssyncadd.tile.s32 @!p0 $0x1;
	_ =	shalt  }
.Lfunc_end2:
_tile_overlayer_lowered:
.L_overlay_start_2:
0x3b: {  	(tag) =	ssettag $0x2  }
0x3c: {  	s0 =	rddreg [dreg:$0x0];
	s2 =	stileid.u32  }
0x3d: {  	s1 =	rddreg [dreg:$0x1];
	p0 =	sne.s32 s2, $0x0  }
0x3e: {  	s3 =	rddreg [dreg:$0x2];
	[bflag:$0x3] =	sbarrier.arrive $0xFFFF;
	s2 =	simm.s32 @!p0 $0x1C01  }
0x3f: {  	[timem:s3], [sflag:s2] =	dma.local @!p0 [hbm:s0], s1  }
0x40: {  	s0 =	simm.s32 @!p0 $0x1  }
0x41: {  	_ =	swait.ge @!p0 [sflag:s0], s1  }
0x42: {  	s1 =	ssub.s32 @!p0 $0x0, s1;
	[sflag:s0] =	ssyncset.done @!p0 $0x0  }
0x43: {  	[sflag:s0] =	ssyncadd.s32 @!p0 s1  }
0x44: {  	[bflag:$0x3] =	sbarrier.arrive $0xFFFF  }
0x45: {  	_ =	shalt  }

// kernel: gather_offload_async_start.3
scs
__scs_entry_jumppad:
0x0: {  	(pc) =	sbr.rel $0x88, $3  }
0x1: {  	(tag) =	ssettag $0x0;
	lr =	simm.s32 $0x1  }
0x2: {  	[smem:$0x3F45] =	sst lr;
	_ =	strace $0xD0000000  }
0x3: {  	_ = 	snop  }
0x4: {  	_ = 	snop  }
0x5: {  	_ = 	snop  }
0x6: {  	_ = 	snop  }
0x7: {  	_ = 	snop  }
__scs_overlays_trampoline_lowered:
0x8: {  	[smem:$0x3F54] =	sst s0  }
0x9: {  	[smem:$0x3F55] =	sst s1  }
0xa: {  	[smem:$0x3F56] =	sst s2  }
0xb: {  	[smem:$0x3F57] =	sst s3  }
0xc: {  	[smem:$0x3F58] =	sst s4  }
0xd: {  	[smem:$0x3F59] =	sst s5  }
0xe: {  	[smem:$0x3F5A] =	sst s6  }
0xf: {  	[smem:$0x3F5B] =	sst s7  }
0x10: {  	[smem:$0x3F5C] =	sst s8  }
0x11: {  	[smem:$0x3F5D] =	sst s9;
	s0 =	simm.s32 @!p0 $0x0  }
0x12: {  	s1 =	sld [smem:$0x3F43];
	s0 =	simm.s32 @p0 $0x1  }
0x13: {  	[smem:$0x3F5E] =	sst s0;
	s0 =	simm.s32 @!p1 $0x0  }
0x14: {  	s2 =	sld [smem:$0x3F42];
	s0 =	simm.s32 @p1 $0x1  }
0x15: {  	[smem:$0x3F5F] =	sst s0;
	s0 =	simm.s32 @!p2 $0x0  }
0x16: {  	s3 =	sld [smem:$0x3FDB];
	s0 =	simm.s32 @p2 $0x1  }
0x17: {  	s4 =	simm.s32 $0x1BF5;
	[smem:$0x3F61] =	sst s0  }
0x18: {  	s0 =	sld [smem:$0x3F44];
	_ =	swait.ge [sflag:s4], $0x0  }
0x19: {  	s7 =	sld [smem:$0x3F45]  }
0x1a: {  	s8 =	sadd.s32 $0xFFFFE003, lr  }
0x1b: {  	s9 =	sadd.s32 $0xFFFFFEF7, lr;
	s5 =	simm.s32 $0xFFFFFFFF;
	p2 =	slt.u32 s8, $0xFFFFF086  }
0x1c: {  	p1 =	slt.u32 s9, $0xF7A;
	s5 =	simm.s32 @!p2 $0x0  }
0x1d: {  	s5 =	simm.s32 @p1 $0x1;
	p0 =	seq.s32 s7, s2  }
0x1e: {  	s7 =	smul.u32 @!p0 $0xF7A, s2;
	p2 =	seq.s32 @!p0 s5, $0x0  }
0x1f: {  	s9 =	smul.u32 $0xF7A, s1;
	s8 =	simm.s32 @!p0 $0x1BF5;
	p2 =	por !p2, p0  }
0x20: {  	[sflag:s8] =	ssyncset.s32 @!p0 $0xFFFFF086;
	s6 =	sadd.s32 @!p0 s3, s7;
	s7 =	simm.s32 @!p0 $0x108  }
0x21: {  	s3 =	sadd.s32 s3, s9;
	s6 =	sadd.s32 @!p0 $0x88, s6;
	s7 =	simm.s32 @p2 $0x1082  }
0x22: {  	[simem:s7], [sflag:s8] =	dma.local @!p0 [hbm:s6], $0xF7A  }
0x23: {  	s9 =	sor.u32 $0xD0000000, s2;
	s6 =	simm.s32 $0x108;
	_ =	swait.ge @!p0 [sflag:s8], $0x0  }
0x24: {  	s3 =	sadd.s32 $0x88, s3;
	s6 =	simm.s32 @!p1 $0x1082;
	[sflag:s4] =	ssyncset.s32 $0xFFFFF086  }
0x25: {  	[simem:s6], [sflag:s4] =	dma.local [hbm:s3], $0xF7A  }
0x26: {  	[smem:$0x3F45] =	sst s1;
	(tag) =	ssettag s2;
	_ =	strace s9  }
0x27: {  	s1 =	sld [smem:$0x3F55]  }
0x28: {  	s2 =	sld [smem:$0x3F56]  }
0x29: {  	s4 =	sld [smem:$0x3F58]  }
0x2a: {  	p0 =	seq.s32 s5, $0x0;
	s5 =	sld [smem:$0x3F59]  }
0x2b: {  	s6 =	sld [smem:$0x3F5A]  }
0x2c: {  	s7 =	sld [smem:$0x3F5B]  }
0x2d: {  	s3 =	simm.s32 $0x108;
	s8 =	sld [smem:$0x3F5C]  }
0x2e: {  	s3 =	simm.s32 @!p0 $0x1082;
	s9 =	sld [smem:$0x3F5D]  }
0x2f: {  	lr =	sadd.s32 s0, s3;
	s0 =	sld [smem:$0x3F54]  }
0x30: {  	s3 =	sld [smem:$0x3F57]  }
0x31: {  	[smem:$0x3F60] =	sst s10  }
0x32: {  	s10 =	sld [smem:$0x3F5E];
	_ =	sdelay $0x3  }
0x33: {  	p0 =	seq.s32 s10, $0x1;
	s10 =	sld [smem:$0x3F60];
	_ =	sdelay $0x3  }
0x34: {  	[smem:$0x3F60] =	sst s10  }
0x35: {  	s10 =	sld [smem:$0x3F5F];
	_ =	sdelay $0x3  }
0x36: {  	p1 =	seq.s32 s10, $0x1;
	s10 =	sld [smem:$0x3F60];
	_ =	sdelay $0x3  }
0x37: {  	[smem:$0x3F60] =	sst s10  }
0x38: {  	s10 =	sld [smem:$0x3F61]  }
0x39: {  	_ = 	snop;
	(pc) =	sbr.ind lr, $3  }
0x3a: {  	_ = 	snop  }
0x3b: {  	_ = 	snop  }
0x3c: {  	p2 =	seq.s32 s10, $0x1;
	s10 =	sld [smem:$0x3F60]  }
0x3d: {  	_ =	shalt  }
0x3e: {  	_ =	shalt  }
0x3f: {  	_ =	shalt  }
0x40: {  	_ =	shalt  }
0x41: {  	_ =	shalt  }
0x42: {  	_ =	shalt  }
0x43: {  	_ =	shalt  }
0x44: {  	_ =	shalt  }
0x45: {  	_ =	shalt  }
0x46: {  	_ =	shalt  }
0x47: {  	_ =	shalt  }
0x48: {  	_ =	shalt  }
0x49: {  	_ =	shalt  }
0x4a: {  	_ =	shalt  }
0x4b: {  	_ =	shalt  }
0x4c: {  	_ =	shalt  }
0x4d: {  	_ =	shalt  }
0x4e: {  	_ =	shalt  }
0x4f: {  	_ =	shalt  }
0x50: {  	_ =	shalt  }
0x51: {  	_ =	shalt  }
0x52: {  	_ =	shalt  }
0x53: {  	_ =	shalt  }
0x54: {  	_ =	shalt  }
0x55: {  	_ =	shalt  }
0x56: {  	_ =	shalt  }
0x57: {  	_ =	shalt  }
0x58: {  	_ =	shalt  }
0x59: {  	_ =	shalt  }
0x5a: {  	_ =	shalt  }
0x5b: {  	_ =	shalt  }
0x5c: {  	_ =	shalt  }
0x5d: {  	_ =	shalt  }
0x5e: {  	_ =	shalt  }
0x5f: {  	_ =	shalt  }
0x60: {  	_ =	shalt  }
0x61: {  	_ =	shalt  }
0x62: {  	_ =	shalt  }
0x63: {  	_ =	shalt  }
0x64: {  	_ =	shalt  }
0x65: {  	_ =	shalt  }
0x66: {  	_ =	shalt  }
0x67: {  	_ =	shalt  }
0x68: {  	_ =	shalt  }
0x69: {  	_ =	shalt  }
0x6a: {  	_ =	shalt  }
0x6b: {  	_ =	shalt  }
0x6c: {  	_ =	shalt  }
0x6d: {  	_ =	shalt  }
0x6e: {  	_ =	shalt  }
0x6f: {  	_ =	shalt  }
0x70: {  	_ =	shalt  }
0x71: {  	_ =	shalt  }
0x72: {  	_ =	shalt  }
0x73: {  	_ =	shalt  }
0x74: {  	_ =	shalt  }
0x75: {  	_ =	shalt  }
0x76: {  	_ =	shalt  }
0x77: {  	_ =	shalt  }
0x78: {  	_ =	shalt  }
0x79: {  	_ =	shalt  }
0x7a: {  	_ =	shalt  }
0x7b: {  	_ =	shalt  }
0x7c: {  	_ =	shalt  }
0x7d: {  	_ =	shalt  }
0x7e: {  	_ =	shalt  }
0x7f: {  	_ =	shalt  }
0x80: {  	_ =	shalt  }
0x81: {  	_ =	shalt  }
0x82: {  	_ =	shalt  }
0x83: {  	_ =	shalt  }
0x84: {  	_ =	shalt  }
0x85: {  	_ =	shalt  }
0x86: {  	_ =	shalt  }
0x87: {  	_ =	shalt  }
.Lfunc_end0:
.L_simem_size_0:
called_computation.3_lowered:
.L_overlay_start_0:
0x88: {  	s2 =	sld [smem:$0x3FD9]  }
0x89: {  	s3 =	sld [smem:$0x3FFE];
	_ =	sdelay $0x1  }
0x8a: {  	s1 =	srdreg.scid  }
0x8b: {  	s0 =	sand.u32 $0x1, s1  }
0x8c: {  	s16 =	sshll.u32 s0, $0xA;
	s2 =	sadd.s32 s3, s2  }
0x8d: {  	s2 =	sadd.s32 s2, s16  }
0x8e: {  	[smem:$0x3F6C] =	sst s2  }
0x8f: {  	_ = 	snop  }
0x90: {  	(tm) =	ssettm $0x1  }
0x91: {  	s17 =	sld [smem:$0x3FFB];
	_ =	sdelay $0x3  }
0x92: {  	_ =	strace s17  }
0x93: {  	s2 =	sld [smem:$0x3FFC];
	_ =	sdelay $0x3  }
0x94: {  	_ =	strace s2  }
0x95: {  	s2 =	sld [smem:$0x3FFD];
	_ =	sdelay $0x3  }
0x96: {  	_ =	strace s2  }
0x97: {  	_ =	strace $0x8FFFFFFF  }
0x98: {  	s18 =	sld [smem:$0x3FDB];
	_ =	sdelay $0x1  }
0x99: {  	s19 =	simm.s32 $_scs_section_size  }
0x9a: {  	s4 =	simm.s32 $_size__tile_overlayer_lowered;
	s5 =	simm.s32 $_tile_overlayer_lowered  }
0x9b: {  	s22 =	simm.s32 $0x1BFF;
	s21 =	sshll.u32 s5, $0x1;
	s2 =	sadd.s32 s19, s18  }
0x9c: {  	s6 =	simm.s32 $0x0;
	s20 =	sshll.u32 s4, $0x1;
	s4 =	sadd.s32 s21, s2  }
0x9d: {  	[timem:s6], [sflag:s22] =	dma.local [hbm:s4], s20  }
0x9e: {  	_ =	swait.ge [sflag:s22], s20  }
0x9f: {  	s3 =	ssub.s32 $0x0, s20;
	[sflag:s22] =	ssyncset.done $0x0  }
0xa0: {  	[sflag:s22] =	ssyncadd.s32 s3;
	_ =	sdelay $0x1  }
0xa1: {  	s23 =	simm.s32 $0x1B8B  }
0xa2: {  	_ =	swait.ge [sflag:s23], $0x1  }
0xa3: {  	[sflag:s23] =	ssyncset.done $0x0  }
0xa4: {  	s25 =	simm.s32 $0x1B8E;
	s24 =	sld [smem:$0x3FFE];
	[sflag:s23] =	ssyncadd.s32 $0xFFFFFFFF  }
0xa5: {  	s26 =	simm.s32 $execute0_lowered;
	[smem:$0x3FD2] =	sst s25  }
0xa6: {  	s4 =	sshll.u32 s26, $0x1;
	_ =	strace $0x80000052;
	[dreg:$0x1] =	wrdreg $0xFFFFFFFF  }
0xa7: {  	s28 =	simm.s32 $_size_execute0_lowered;
	s2 =	sadd.s32 s2, s4;
	[dreg:$0x0] =	wrdreg $0x0  }
0xa8: {  	s4 =	sshll.u32 s28, $0x1;
	[dreg:$0x2] =	wrdreg s2  }
0xa9: {  	[dreg:$0x3] =	wrdreg s4  }
0xaa: {  	[dreg:$0x4] =	wrdreg $0xC0  }
0xab: {  	_ =	task [dreg:s6], $0x5FFFF  }
0xac: {  	[dreg:$0x1] =	wrdreg $0xFFFFFFFF  }
0xad: {  	[dreg:$0x0] =	wrdreg $0x60  }
0xae: {  	[dreg:$0x2] =	wrdreg s24  }
0xaf: {  	[dreg:$0x3] =	wrdreg $0x9  }
0xb0: {  	_ =	task.clear_ibuf [dreg:s6], $0x4FFFF;
	_ =	strace $0x90000052  }
0xb1: {  	s29 =	simm.s32 $0x9;
	_ =	strace $0x80000054  }
0xb2: {  	_ =	swait.ge [sflag:s29], $0x1  }
0xb3: {  	[sflag:s29] =	ssyncadd.s32 $0xFFFFFFFF  }
0xb4: {  	_ =	strace $0x90000054  }
0xb5: {  	_ =	sfence  }
0xb6: {  	s30 =	sld [smem:$0x0];
	_ =	sdelay $0x2  }
0xb7: {  	s31 =	sshll.u32 s1, $0xD;
	s1 =	sshrl.u32 s1, $0x2  }
0xb8: {  	s3 =	sand.u32 $0x4000, s31;
	s1 =	sadd.s32 s1, s30  }
0xb9: {  	s0 =	sor.u32 s3, s0;
	s1 =	sshll.u32 s1, $0x11  }
0xba: {  	s0 =	sor.u32 s1, s0  }
0xbb: {  	s0 =	sadd.s32 $0x8F2B, s0  }
0xbc: {  	[sflag:s0] =	ssyncadd.remote.s32 $0x1  }
0xbd: {  	_ =	sfence.sel $0xFFFF  }
0xbe: {  	[dreg:$0x0] =	wrdreg $0xFFFFFFFF;
	(pc) =	sbr.abs _section_cstart, $3  }
0xbf: {  	[dreg:$0x1] =	wrdreg $0xFFFFFFFF  }
0xc0: {  	_ =	task.clear_ibuf [dreg:s6], $0x2FFFF;
	_ =	strace $0x9FFFFFFF  }
0xc1: {  	(tm) =	ssettm $0x7FFFFFFF  }
tec
execute0_lowered:
.L_overlay_start_1:
0x0: {  	(tag) =	ssettag $0x1  }
0x1: {  	s0 =	srdreg.scid;
	s5 =	rddreg [dreg:$0x0]  }
0x2: {  	s1 =	stileid.u32;
	s6 =	simm.s32 $0x1;
	s9 =	simm.s32 $0x1  }
0x3: {  	s10 =	simm.s32 $0x3;
	s13 =	simm.s32 $0x0;
	s2 =	sshll.u32 s0, $0x7  }
0x4: {  	s12 =	simm.s32 $0x0;
	s3 =	sshll.u32 s1, $0x8;
	s2 =	sand.u32 $0x80, s2  }
0x5: {  	s0 =	rddreg [dreg:$0x1];
	_ =	strace $0x80000053;
	s2 =	sor.u32 s3, s2  }
0x6: {  	s4 =	sadd.s32 $0x84E00, s5;
	[sflag:s6] =	ssyncpa.u1 $0x0;
	s8 =	ssub.s32 $0x1800, s2  }
.Ltmp0:
0x7: {  	s3 =	sadd.s32 $0x85600, s5;
	s7 =	sand.u32 $0xF80, s8;
	(pc) =	sbr.rel .LBB2_1-.Ltmp0, $4  }
0x8: {  	s5 =	sadd.s32 $0x85200, s5;
	s11 =	smov.u32 s2;
	p0 =	sne.s32 s7, $0x0  }
0x9: {  	s8 =	sshrl.u32 s8, $0xC;
	s7 =	simm.s32 $0x2;
	s9 =	simm.s32 @!p0 $0x0  }
0xa: {  	[sflag:s7] =	ssyncpa.u1 $0x0;
	p0 =	por $0x0, $0x0;
	s8 =	sadd.s32 s9, s8  }
0xb: {  	vm0 =	vmmov $0xffff;
	[sflag:s10] =	ssyncpa.u1 $0x0;
	s10 =	simm.s32 $0x0;
	s9 =	sadd.s32 $0x1, s8  }
.LBB2_4:
0xc: {  	v3 =	vshrl.u32 v0, $0x3;
	v4 =	vshrl.u32 v0, $0xB;
	v1 =	vor.u32 v1, v2  }
0xd: {  	v62 =	vshll.u32 v0, $0xE;
	v60 =	vand.u32 $0xFF, v3;
	v61 =	vand.u32 $0x3F, v4  }
0xe: {  	v0 =	vand.u32 $0x1C000, v62;
	v2 =	vsel vm1, $0xFFFFFFFF, v60;
	v3 =	vsel vm1, $0xFFFFFFFF, v61  }
0xf: {  	v0 =	vsel vm1, $0xFFFFC000, v0;
	v63 =	vand.u32 $0x7F, v2;
	v5 =	vshll.u32 v3, $0x8  }
0x10: {  	v2 =	vshll.u32 v2, $0x3;
	v5 =	vand.u32 $0xFFFFF800, v5;
	v0 =	vor.u32 v0, v63  }
0x11: {  	v3 =	vshll.u32 v3, $0x7;
	v2 =	vand.u32 $0xFFFFFC00, v2;
	v0 =	vadd.s32 v5, v0  }
0x12: {  	v3 =	vand.u32 $0x380, v3;
	v0 =	vadd.s32 v2, v0  }
0x13: {  	v0 =	vor.u32 v3, v0;
	_ =	sdelay $0x1  }
0x14: {  	(ifvalue) =	ssetifvalue $0x7FFFFFFF;
	s14 =	sadd.s32 $0x10, s14  }
0x15: {  	[tilespmem:s14], [sflag:$0x1] =	stream.indirect_vreg.gather [hbm4b:s3+s10], $0x1, v1, vm0, $0x4038;
	[tilespmem:$0x200] =	vst v63  }
0x16: {  	(ifvalue) =	ssetifvalue $0x7FFFFFFF;
	s14 =	sadd.s32 $0x10, s14  }
0x17: {  	[tilespmem:s14], [sflag:$0x1] =	stream.indirect_vreg.gather [hbm4b:s3+s10], $0x1, v0, vm0, $0x4038;
	[tilespmem:$0x200] =	vst v63  }
0x18: {  	_ =	swait.ge [sflag:s6], $0x80  }
0x19: {  	s30 =	sshrl.u32 s13, $0x3;
	[sflag:s6] =	ssyncset.done $0x0  }
0x1a: {  	s31 =	sand.u32 $0x7, s13;
	s14 =	sadd.s32 s5, s30;
	[sflag:s6] =	ssyncadd.s32 $0xFFFFFF80  }
0x1b: {  	[hbm4b:s14+s31] =	stream.linear.scatter [tilespmem:s15], [sflag:$0x3], $0x80, $0x38;
	[tilespmem:$0x200] =	vst v63  }
.LBB2_5:
0x1c: {  	s15 =	sadd.s32 $0x1000, s11  }
0x1d: {  	p2 =	sgt.s32 s15, $0x17FF  }
0x1e: {  	s15 =	smov.u32 @p2 s2;
	p2 =	sne.s32 s12, s9  }
.Ltmp1:
0x1f: {  	p1 =	slt.u32 s12, $0x2;
	(pc) =	sbr.rel @!p2 .LBB2_6-.Ltmp1, $4  }
0x20: {  	s14 =	simm.s32 @!p1 $0x3  }
0x21: {  	s16 =	sadd.s32 $0x1, s12;
	_ =	swait.ge @!p1 [sflag:s14], $0x80  }
0x22: {  	s13 =	smov.u32 s11;
	p0 =	por !p0, !p0;
	[sflag:s14] =	ssyncset.done @!p1 $0x0  }
0x23: {  	s12 =	smov.u32 s16;
	s11 =	smov.u32 s15;
	[sflag:s14] =	ssyncadd.s32 @!p1 $0xFFFFFF80  }
.LBB2_1:
0x24: {  	p1 =	sge.u32 s12, s8  }
0x25: {  	s14 =	sxor.u32 @!p1 $0xFFFFFFFF, s12  }
0x26: {  	s31 =	sadd.s32 $0xFFFFFFFF, s12;
	s15 =	sshrl.u32 @!p1 s11, $0x3;
	s14 =	sshll.u32 @!p1 s14, $0x7  }
0x27: {  	s16 =	sand.u32 @!p1 $0x7, s11;
	s15 =	sadd.s32 @!p1 s4, s15;
	s14 =	sand.u32 @!p1 $0x80, s14  }
0x28: {  	[tilespmem:s14], [sflag:$0x2] =	stream.linear.gather @!p1 [hbm4b:s15+s16], $0x80, $0x38;
	[tilespmem:$0x200] =	vst v63  }
0x29: {  	p1 =	sge.u32 s31, s8  }
.Ltmp2:
0x2a: {  	_ = 	snop;
	(pc) =	sbr.rel @p1 .LBB2_5-.Ltmp2, $1  }
0x2b: {  	_ =	sdelay $0x3  }
0x2c: {  	s14 =	simm.s32 $0x1  }
0x2d: {  	_ =	swait.ge [sflag:s7], $0x80;
	s14 =	simm.s32 @!p0 $0x0  }
0x2e: {  	[sflag:s7] =	ssyncset.done $0x0;
	s14 =	sshll.u32 s14, $0x7  }
0x2f: {  	[sflag:s7] =	ssyncadd.s32 $0xFFFFFF80;
	(ifvalue) =	ssetifvalue $0x7FFFFFFF;
	v0 =	vld.msk [tilespmem:s14+$0x0 ss:$0x1], $0xffff;
	_ =	sdelay $0x4  }
0x30: {  	s15 =	sadd.s32 $0x10, s14;
	vm1 =	veq.s32 v0, $0x80000000;
	v1 =	vshrl.u32 v0, $0x3;
	v2 =	vshrl.u32 v0, $0xB  }
0x31: {  	v3 =	vld.msk [tilespmem:s15+$0x0 ss:$0x1], $0xffff;
	v0 =	vshll.u32 v0, $0xE;
	v1 =	vand.u32 $0xFF, v1;
	v2 =	vand.u32 $0x3F, v2  }
0x32: {  	v0 =	vand.u32 $0x1C000, v0;
	v1 =	vsel vm1, $0xFFFFFFFF, v1;
	v2 =	vsel vm1, $0xFFFFFFFF, v2  }
0x33: {  	v0 =	vsel vm1, $0xFFFFC000, v0;
	v4 =	vand.u32 $0x7F, v1;
	v5 =	vshll.u32 v2, $0x8  }
0x34: {  	v1 =	vshll.u32 v1, $0x3;
	v5 =	vand.u32 $0xFFFFF800, v5;
	v0 =	vor.u32 v0, v4  }
0x35: {  	v2 =	vshll.u32 v2, $0x7;
	v1 =	vand.u32 $0xFFFFFC00, v1;
	v0 =	vadd.s32 v5, v0  }
0x36: {  	v62 =	vshrl.u32 v3, $0xB;
	v2 =	vand.u32 $0x380, v2;
	v0 =	vadd.s32 v1, v0  }
0x37: {  	s17 =	sadd.s32 $0x10, s15;
	vm1 =	veq.s32 v3, $0x80000000;
	v1 =	vor.u32 v2, v0;
	v2 =	vshrl.u32 v3, $0x3  }
0x38: {  	v4 =	vand.u32 $0x3F, v62;
	v0 =	vld.msk [tilespmem:s17+$0x0 ss:$0x1], $0xffff;
	v3 =	vshll.u32 v3, $0xE;
	v2 =	vand.u32 $0xFF, v2  }
0x39: {  	v4 =	vsel vm1, $0xFFFFFFFF, v4;
	v3 =	vand.u32 $0x1C000, v3;
	v2 =	vsel vm1, $0xFFFFFFFF, v2  }
0x3a: {  	s31 =	sshll.u32 s12, $0x7;
	v6 =	vshll.u32 v4, $0x8;
	v3 =	vsel vm1, $0xFFFFC000, v3;
	v63 =	vand.u32 $0x7F, v2  }
0x3b: {  	s14 =	sor.u32 $0x100, s14;
	s15 =	sand.u32 $0x80, s31;
	(ifvalue) =	ssetifvalue $0x7FFFFFFF;
	v6 =	vand.u32 $0xFFFFF800, v6;
	v2 =	vshll.u32 v2, $0x3;
	v3 =	vor.u32 v3, v63  }
0x3c: {  	v2 =	vand.u32 $0xFFFFFC00, v2;
	[tilespmem:s14], [sflag:$0x1] =	stream.indirect_vreg.gather [hbm4b:s3+s10], $0x1, v1, vm0, $0x4038;
	v1 =	vshll.u32 v4, $0x7;
	v3 =	vadd.s32 v6, v3;
	[tilespmem:$0x200] =	vst v63  }
0x3d: {  	s16 =	simm.s32 $0x20;
	s15 =	sor.u32 $0x100, s15;
	s17 =	sadd.s32 $0x10, s17;
	vm1 =	veq.s32 v0, $0x80000000;
	v1 =	vand.u32 $0x380, v1;
	v2 =	vadd.s32 v2, v3  }
.LBB2_3:
0x3e: {  	v3 =	vld.msk [tilespmem:s17+$0x0 ss:$0x1], $0xffff;
	v4 =	vshrl.u32 v0, $0x3;
	v5 =	vshrl.u32 v0, $0xB;
	v1 =	vor.u32 v1, v2;
	s16 =	sadd.s32 $0x10, s16  }
0x3f: {  	v0 =	vshll.u32 v0, $0xE;
	v2 =	vand.u32 $0xFF, v4;
	v4 =	vand.u32 $0x3F, v5;
	p1 =	slt.u32 s16, $0x70  }
.Ltmp3:
0x40: {  	v0 =	vand.u32 $0x1C000, v0;
	v2 =	vsel vm1, $0xFFFFFFFF, v2;
	v4 =	vsel vm1, $0xFFFFFFFF, v4;
	(pc) =	sbr.rel @p1 .LBB2_3-.Ltmp3, $4  }
0x41: {  	v0 =	vsel vm1, $0xFFFFC000, v0;
	v5 =	vand.u32 $0x7F, v2;
	v6 =	vshll.u32 v4, $0x8  }
0x42: {  	s14 =	sadd.s32 $0x10, s14;
	v2 =	vshll.u32 v2, $0x3;
	v6 =	vand.u32 $0xFFFFF800, v6;
	v7 =	vor.u32 v0, v5;
	(ifvalue) =	ssetifvalue $0x7FFFFFFF  }
0x43: {  	v4 =	vshll.u32 v4, $0x7;
	v2 =	vand.u32 $0xFFFFFC00, v2;
	v5 =	vadd.s32 v6, v7;
	[tilespmem:s14], [sflag:$0x1] =	stream.indirect_vreg.gather [hbm4b:s3+s10], $0x1, v1, vm0, $0x4038;
	[tilespmem:$0x200] =	vst v63  }
0x44: {  	s17 =	sadd.s32 $0x10, s17;
	vm1 =	veq.s32 v3, $0x80000000;
	v1 =	vand.u32 $0x380, v4;
	v0 =	vmovc v3;
	v2 =	vadd.s32 v2, v5  }
.Ltmp4:
0x45: {  	_ = 	snop;
	(pc) =	sbr.rel .LBB2_4-.Ltmp4, $1  }
0x46: {  	_ =	sdelay $0x3  }
.LBB2_6:
0x47: {  	_ =	sfence.sel $0x180000  }
0x48: {  	s2 =	simm.s32 $0x2;
	[bflag:$0x0] =	sbarrier.arrive $0xFFFF  }
0x49: {  	s30 =	simm.s32 $0x3;
	[sflag:s2] =	ssyncpa.u1 $0x1  }
0x4a: {  	s31 =	simm.s32 $0x1;
	[sflag:s30] =	ssyncpa.u1 $0x1  }
0x4b: {  	[sflag:s31] =	ssyncpa.u1 $0x1  }
0x4c: {  	p0 =	sne.s32 s1, $0x0;
	_ =	strace $0x90000053  }
0x4d: {  	s0 =	sadd.s32 @!p0 $0x100000, s0;
	[bflag:$0x2] =	sbarrier.arrive $0xFFFF  }
0x4e: {  	[sflag:s0] =	ssyncadd.tile.s32 @!p0 $0x1;
	_ =	shalt  }
.Lfunc_end2:
_tile_overlayer_lowered:
.L_overlay_start_2:
0x4f: {  	(tag) =	ssettag $0x2  }
0x50: {  	s0 =	rddreg [dreg:$0x0];
	s2 =	stileid.u32  }
0x51: {  	s1 =	rddreg [dreg:$0x1];
	p0 =	sne.s32 s2, $0x0  }
0x52: {  	s3 =	rddreg [dreg:$0x2];
	[bflag:$0x3] =	sbarrier.arrive $0xFFFF;
	s2 =	simm.s32 @!p0 $0x1C01  }
0x53: {  	[timem:s3], [sflag:s2] =	dma.local @!p0 [hbm:s0], s1  }
0x54: {  	s0 =	simm.s32 @!p0 $0x1  }
0x55: {  	_ =	swait.ge @!p0 [sflag:s0], s1  }
0x56: {  	s1 =	ssub.s32 @!p0 $0x0, s1;
	[sflag:s0] =	ssyncset.done @!p0 $0x0  }
0x57: {  	[sflag:s0] =	ssyncadd.s32 @!p0 s1  }
0x58: {  	[bflag:$0x3] =	sbarrier.arrive $0xFFFF  }
0x59: {  	_ =	shalt  }

// kernel: gather_offload_async_start.4
scs
__scs_entry_jumppad:
0x0: {  	(pc) =	sbr.rel $0x88, $3  }
0x1: {  	(tag) =	ssettag $0x0;
	lr =	simm.s32 $0x1  }
0x2: {  	[smem:$0x3F45] =	sst lr;
	_ =	strace $0xD0000000  }
0x3: {  	_ = 	snop  }
0x4: {  	_ = 	snop  }
0x5: {  	_ = 	snop  }
0x6: {  	_ = 	snop  }
0x7: {  	_ = 	snop  }
__scs_overlays_trampoline_lowered:
0x8: {  	[smem:$0x3F54] =	sst s0  }
0x9: {  	[smem:$0x3F55] =	sst s1  }
0xa: {  	[smem:$0x3F56] =	sst s2  }
0xb: {  	[smem:$0x3F57] =	sst s3  }
0xc: {  	[smem:$0x3F58] =	sst s4  }
0xd: {  	[smem:$0x3F59] =	sst s5  }
0xe: {  	[smem:$0x3F5A] =	sst s6  }
0xf: {  	[smem:$0x3F5B] =	sst s7  }
0x10: {  	[smem:$0x3F5C] =	sst s8  }
0x11: {  	[smem:$0x3F5D] =	sst s9;
	s0 =	simm.s32 @!p0 $0x0  }
0x12: {  	s1 =	sld [smem:$0x3F43];
	s0 =	simm.s32 @p0 $0x1  }
0x13: {  	[smem:$0x3F5E] =	sst s0;
	s0 =	simm.s32 @!p1 $0x0  }
0x14: {  	s2 =	sld [smem:$0x3F42];
	s0 =	simm.s32 @p1 $0x1  }
0x15: {  	[smem:$0x3F5F] =	sst s0;
	s0 =	simm.s32 @!p2 $0x0  }
0x16: {  	s3 =	sld [smem:$0x3FDB];
	s0 =	simm.s32 @p2 $0x1  }
0x17: {  	s4 =	simm.s32 $0x1BF5;
	[smem:$0x3F61] =	sst s0  }
0x18: {  	s0 =	sld [smem:$0x3F44];
	_ =	swait.ge [sflag:s4], $0x0  }
0x19: {  	s7 =	sld [smem:$0x3F45]  }
0x1a: {  	s8 =	sadd.s32 $0xFFFFE003, lr  }
0x1b: {  	s9 =	sadd.s32 $0xFFFFFEF7, lr;
	s5 =	simm.s32 $0xFFFFFFFF;
	p2 =	slt.u32 s8, $0xFFFFF086  }
0x1c: {  	p1 =	slt.u32 s9, $0xF7A;
	s5 =	simm.s32 @!p2 $0x0  }
0x1d: {  	s5 =	simm.s32 @p1 $0x1;
	p0 =	seq.s32 s7, s2  }
0x1e: {  	s7 =	smul.u32 @!p0 $0xF7A, s2;
	p2 =	seq.s32 @!p0 s5, $0x0  }
0x1f: {  	s9 =	smul.u32 $0xF7A, s1;
	s8 =	simm.s32 @!p0 $0x1BF5;
	p2 =	por !p2, p0  }
0x20: {  	[sflag:s8] =	ssyncset.s32 @!p0 $0xFFFFF086;
	s6 =	sadd.s32 @!p0 s3, s7;
	s7 =	simm.s32 @!p0 $0x108  }
0x21: {  	s3 =	sadd.s32 s3, s9;
	s6 =	sadd.s32 @!p0 $0x88, s6;
	s7 =	simm.s32 @p2 $0x1082  }
0x22: {  	[simem:s7], [sflag:s8] =	dma.local @!p0 [hbm:s6], $0xF7A  }
0x23: {  	s9 =	sor.u32 $0xD0000000, s2;
	s6 =	simm.s32 $0x108;
	_ =	swait.ge @!p0 [sflag:s8], $0x0  }
0x24: {  	s3 =	sadd.s32 $0x88, s3;
	s6 =	simm.s32 @!p1 $0x1082;
	[sflag:s4] =	ssyncset.s32 $0xFFFFF086  }
0x25: {  	[simem:s6], [sflag:s4] =	dma.local [hbm:s3], $0xF7A  }
0x26: {  	[smem:$0x3F45] =	sst s1;
	(tag) =	ssettag s2;
	_ =	strace s9  }
0x27: {  	s1 =	sld [smem:$0x3F55]  }
0x28: {  	s2 =	sld [smem:$0x3F56]  }
0x29: {  	s4 =	sld [smem:$0x3F58]  }
0x2a: {  	p0 =	seq.s32 s5, $0x0;
	s5 =	sld [smem:$0x3F59]  }
0x2b: {  	s6 =	sld [smem:$0x3F5A]  }
0x2c: {  	s7 =	sld [smem:$0x3F5B]  }
0x2d: {  	s3 =	simm.s32 $0x108;
	s8 =	sld [smem:$0x3F5C]  }
0x2e: {  	s3 =	simm.s32 @!p0 $0x1082;
	s9 =	sld [smem:$0x3F5D]  }
0x2f: {  	lr =	sadd.s32 s0, s3;
	s0 =	sld [smem:$0x3F54]  }
0x30: {  	s3 =	sld [smem:$0x3F57]  }
0x31: {  	[smem:$0x3F60] =	sst s10  }
0x32: {  	s10 =	sld [smem:$0x3F5E];
	_ =	sdelay $0x3  }
0x33: {  	p0 =	seq.s32 s10, $0x1;
	s10 =	sld [smem:$0x3F60];
	_ =	sdelay $0x3  }
0x34: {  	[smem:$0x3F60] =	sst s10  }
0x35: {  	s10 =	sld [smem:$0x3F5F];
	_ =	sdelay $0x3  }
0x36: {  	p1 =	seq.s32 s10, $0x1;
	s10 =	sld [smem:$0x3F60];
	_ =	sdelay $0x3  }
0x37: {  	[smem:$0x3F60] =	sst s10  }
0x38: {  	s10 =	sld [smem:$0x3F61]  }
0x39: {  	_ = 	snop;
	(pc) =	sbr.ind lr, $3  }
0x3a: {  	_ = 	snop  }
0x3b: {  	_ = 	snop  }
0x3c: {  	p2 =	seq.s32 s10, $0x1;
	s10 =	sld [smem:$0x3F60]  }
0x3d: {  	_ =	shalt  }
0x3e: {  	_ =	shalt  }
0x3f: {  	_ =	shalt  }
0x40: {  	_ =	shalt  }
0x41: {  	_ =	shalt  }
0x42: {  	_ =	shalt  }
0x43: {  	_ =	shalt  }
0x44: {  	_ =	shalt  }
0x45: {  	_ =	shalt  }
0x46: {  	_ =	shalt  }
0x47: {  	_ =	shalt  }
0x48: {  	_ =	shalt  }
0x49: {  	_ =	shalt  }
0x4a: {  	_ =	shalt  }
0x4b: {  	_ =	shalt  }
0x4c: {  	_ =	shalt  }
0x4d: {  	_ =	shalt  }
0x4e: {  	_ =	shalt  }
0x4f: {  	_ =	shalt  }
0x50: {  	_ =	shalt  }
0x51: {  	_ =	shalt  }
0x52: {  	_ =	shalt  }
0x53: {  	_ =	shalt  }
0x54: {  	_ =	shalt  }
0x55: {  	_ =	shalt  }
0x56: {  	_ =	shalt  }
0x57: {  	_ =	shalt  }
0x58: {  	_ =	shalt  }
0x59: {  	_ =	shalt  }
0x5a: {  	_ =	shalt  }
0x5b: {  	_ =	shalt  }
0x5c: {  	_ =	shalt  }
0x5d: {  	_ =	shalt  }
0x5e: {  	_ =	shalt  }
0x5f: {  	_ =	shalt  }
0x60: {  	_ =	shalt  }
0x61: {  	_ =	shalt  }
0x62: {  	_ =	shalt  }
0x63: {  	_ =	shalt  }
0x64: {  	_ =	shalt  }
0x65: {  	_ =	shalt  }
0x66: {  	_ =	shalt  }
0x67: {  	_ =	shalt  }
0x68: {  	_ =	shalt  }
0x69: {  	_ =	shalt  }
0x6a: {  	_ =	shalt  }
0x6b: {  	_ =	shalt  }
0x6c: {  	_ =	shalt  }
0x6d: {  	_ =	shalt  }
0x6e: {  	_ =	shalt  }
0x6f: {  	_ =	shalt  }
0x70: {  	_ =	shalt  }
0x71: {  	_ =	shalt  }
0x72: {  	_ =	shalt  }
0x73: {  	_ =	shalt  }
0x74: {  	_ =	shalt  }
0x75: {  	_ =	shalt  }
0x76: {  	_ =	shalt  }
0x77: {  	_ =	shalt  }
0x78: {  	_ =	shalt  }
0x79: {  	_ =	shalt  }
0x7a: {  	_ =	shalt  }
0x7b: {  	_ =	shalt  }
0x7c: {  	_ =	shalt  }
0x7d: {  	_ =	shalt  }
0x7e: {  	_ =	shalt  }
0x7f: {  	_ =	shalt  }
0x80: {  	_ =	shalt  }
0x81: {  	_ =	shalt  }
0x82: {  	_ =	shalt  }
0x83: {  	_ =	shalt  }
0x84: {  	_ =	shalt  }
0x85: {  	_ =	shalt  }
0x86: {  	_ =	shalt  }
0x87: {  	_ =	shalt  }
.Lfunc_end0:
.L_simem_size_0:
called_computation.4_lowered:
.L_overlay_start_0:
0x88: {  	s2 =	sld [smem:$0x3FD9]  }
0x89: {  	s3 =	sld [smem:$0x3FFE];
	_ =	sdelay $0x1  }
0x8a: {  	s1 =	srdreg.scid  }
0x8b: {  	s0 =	sand.u32 $0x1, s1  }
0x8c: {  	s16 =	sshll.u32 s0, $0xA;
	s2 =	sadd.s32 s3, s2  }
0x8d: {  	s2 =	sadd.s32 s2, s16  }
0x8e: {  	[smem:$0x3F6C] =	sst s2  }
0x8f: {  	_ = 	snop  }
0x90: {  	(tm) =	ssettm $0x1  }
0x91: {  	s17 =	sld [smem:$0x3FFB];
	_ =	sdelay $0x3  }
0x92: {  	_ =	strace s17  }
0x93: {  	s2 =	sld [smem:$0x3FFC];
	_ =	sdelay $0x3  }
0x94: {  	_ =	strace s2  }
0x95: {  	s2 =	sld [smem:$0x3FFD];
	_ =	sdelay $0x3  }
0x96: {  	_ =	strace s2  }
0x97: {  	_ =	strace $0x8FFFFFFF  }
0x98: {  	s18 =	sld [smem:$0x3FDB];
	_ =	sdelay $0x1  }
0x99: {  	s19 =	simm.s32 $_scs_section_size  }
0x9a: {  	s4 =	simm.s32 $_size__tile_overlayer_lowered;
	s5 =	simm.s32 $_tile_overlayer_lowered  }
0x9b: {  	s22 =	simm.s32 $0x1BFF;
	s21 =	sshll.u32 s5, $0x1;
	s2 =	sadd.s32 s19, s18  }
0x9c: {  	s6 =	simm.s32 $0x0;
	s20 =	sshll.u32 s4, $0x1;
	s4 =	sadd.s32 s21, s2  }
0x9d: {  	[timem:s6], [sflag:s22] =	dma.local [hbm:s4], s20  }
0x9e: {  	_ =	swait.ge [sflag:s22], s20  }
0x9f: {  	s3 =	ssub.s32 $0x0, s20;
	[sflag:s22] =	ssyncset.done $0x0  }
0xa0: {  	[sflag:s22] =	ssyncadd.s32 s3;
	_ =	sdelay $0x1  }
0xa1: {  	s23 =	simm.s32 $0x1B8B  }
0xa2: {  	_ =	swait.ge [sflag:s23], $0x1  }
0xa3: {  	[sflag:s23] =	ssyncset.done $0x0  }
0xa4: {  	s25 =	simm.s32 $0x1B8E;
	s24 =	sld [smem:$0x3FFE];
	[sflag:s23] =	ssyncadd.s32 $0xFFFFFFFF  }
0xa5: {  	s26 =	simm.s32 $execute0_lowered;
	[smem:$0x3FD2] =	sst s25  }
0xa6: {  	s4 =	sshll.u32 s26, $0x1;
	_ =	strace $0x80000055;
	[dreg:$0x1] =	wrdreg $0xFFFFFFFF  }
0xa7: {  	s28 =	simm.s32 $_size_execute0_lowered;
	s2 =	sadd.s32 s2, s4;
	[dreg:$0x0] =	wrdreg $0x0  }
0xa8: {  	s4 =	sshll.u32 s28, $0x1;
	[dreg:$0x2] =	wrdreg s2  }
0xa9: {  	[dreg:$0x3] =	wrdreg s4  }
0xaa: {  	[dreg:$0x4] =	wrdreg $0xC0  }
0xab: {  	_ =	task [dreg:s6], $0x5FFFF  }
0xac: {  	[dreg:$0x1] =	wrdreg $0xFFFFFFFF  }
0xad: {  	[dreg:$0x0] =	wrdreg $0x60  }
0xae: {  	[dreg:$0x2] =	wrdreg s24  }
0xaf: {  	[dreg:$0x3] =	wrdreg $0x9  }
0xb0: {  	_ =	task.clear_ibuf [dreg:s6], $0x4FFFF;
	_ =	strace $0x90000055  }
0xb1: {  	s29 =	simm.s32 $0x9;
	_ =	strace $0x80000057  }
0xb2: {  	_ =	swait.ge [sflag:s29], $0x1  }
0xb3: {  	[sflag:s29] =	ssyncadd.s32 $0xFFFFFFFF  }
0xb4: {  	_ =	strace $0x90000057  }
0xb5: {  	_ =	sfence  }
0xb6: {  	s30 =	sld [smem:$0x0];
	_ =	sdelay $0x2  }
0xb7: {  	s31 =	sshll.u32 s1, $0xD;
	s1 =	sshrl.u32 s1, $0x2  }
0xb8: {  	s3 =	sand.u32 $0x4000, s31;
	s1 =	sadd.s32 s1, s30  }
0xb9: {  	s0 =	sor.u32 s3, s0;
	s1 =	sshll.u32 s1, $0x11  }
0xba: {  	s0 =	sor.u32 s1, s0  }
0xbb: {  	s0 =	sadd.s32 $0x8F2B, s0  }
0xbc: {  	[sflag:s0] =	ssyncadd.remote.s32 $0x1  }
0xbd: {  	_ =	sfence.sel $0xFFFF  }
0xbe: {  	[dreg:$0x0] =	wrdreg $0xFFFFFFFF;
	(pc) =	sbr.abs _section_cstart, $3  }
0xbf: {  	[dreg:$0x1] =	wrdreg $0xFFFFFFFF  }
0xc0: {  	_ =	task.clear_ibuf [dreg:s6], $0x2FFFF;
	_ =	strace $0x9FFFFFFF  }
0xc1: {  	(tm) =	ssettm $0x7FFFFFFF  }
tec
execute0_lowered:
.L_overlay_start_1:
0x0: {  	(tag) =	ssettag $0x1  }
0x1: {  	s0 =	srdreg.scid;
	s5 =	rddreg [dreg:$0x0]  }
0x2: {  	s1 =	stileid.u32;
	s6 =	simm.s32 $0x1;
	s9 =	simm.s32 $0x1  }
0x3: {  	s10 =	simm.s32 $0x3;
	s13 =	simm.s32 $0x0;
	s2 =	sshll.u32 s0, $0x9  }
0x4: {  	s12 =	simm.s32 $0x0;
	s3 =	sshll.u32 s1, $0xA;
	s2 =	sand.u32 $0x200, s2  }
0x5: {  	s0 =	rddreg [dreg:$0x1];
	_ =	strace $0x80000056;
	s2 =	sor.u32 s3, s2  }
0x6: {  	s4 =	sadd.s32 $0xDB800, s5;
	[sflag:s6] =	ssyncpa.u1 $0x0;
	s8 =	ssub.s32 $0x6000, s2  }
.Ltmp0:
0x7: {  	s3 =	sadd.s32 $0xE4E00, s5;
	s7 =	sand.u32 $0x3E00, s8;
	(pc) =	sbr.rel .LBB2_1-.Ltmp0, $4  }
0x8: {  	s5 =	sadd.s32 $0xDC400, s5;
	s11 =	smov.u32 s2;
	p0 =	sne.s32 s7, $0x0  }
0x9: {  	s8 =	sshrl.u32 s8, $0xE;
	s7 =	simm.s32 $0x2;
	s9 =	simm.s32 @!p0 $0x0  }
0xa: {  	[sflag:s7] =	ssyncpa.u1 $0x0;
	p0 =	por $0x0, $0x0;
	s8 =	sadd.s32 s9, s8  }
0xb: {  	vm0 =	vmmov $0xffff;
	[sflag:s10] =	ssyncpa.u1 $0x0;
	s10 =	simm.s32 $0x0;
	s9 =	sadd.s32 $0x1, s8  }
.LBB2_4:
0xc: {  	v3 =	vshrl.u32 v0, $0x3;
	v4 =	vshrl.u32 v0, $0xD;
	v1 =	vor.u32 v1, v2  }
0xd: {  	v62 =	vshll.u32 v0, $0x12;
	v60 =	vand.u32 $0x3FF, v3;
	v61 =	vand.u32 $0xFF, v4  }
0xe: {  	v0 =	vand.u32 $0x1C0000, v62;
	v2 =	vsel vm1, $0xFFFFFFFF, v60;
	v3 =	vsel vm1, $0xFFFFFFFF, v61  }
0xf: {  	v0 =	vsel vm1, $0xFFFC0000, v0;
	v63 =	vand.u32 $0x7F, v3;
	v5 =	vshll.u32 v2, $0x8  }
0x10: {  	v3 =	vshll.u32 v3, $0x3;
	v5 =	vand.u32 $0xFFFFF800, v5;
	v0 =	vor.u32 v0, v63  }
0x11: {  	v2 =	vshll.u32 v2, $0x7;
	v3 =	vand.u32 $0xFFFFFC00, v3;
	v0 =	vadd.s32 v5, v0  }
0x12: {  	v2 =	vand.u32 $0x380, v2;
	v0 =	vadd.s32 v3, v0  }
0x13: {  	v0 =	vor.u32 v2, v0;
	_ =	sdelay $0x1  }
0x14: {  	(ifvalue) =	ssetifvalue $0x7FFFFFFF;
	s14 =	sadd.s32 $0x10, s14  }
0x15: {  	[tilespmem:s14], [sflag:$0x1] =	stream.indirect_vreg.gather [hbm4b:s3+s10], $0x1, v1, vm0, $0x4038;
	[tilespmem:$0x800] =	vst v63  }
0x16: {  	(ifvalue) =	ssetifvalue $0x7FFFFFFF;
	s14 =	sadd.s32 $0x10, s14  }
0x17: {  	[tilespmem:s14], [sflag:$0x1] =	stream.indirect_vreg.gather [hbm4b:s3+s10], $0x1, v0, vm0, $0x4038;
	[tilespmem:$0x800] =	vst v63  }
0x18: {  	_ =	swait.ge [sflag:s6], $0x200  }
0x19: {  	s30 =	sshrl.u32 s13, $0x3;
	[sflag:s6] =	ssyncset.done $0x0  }
0x1a: {  	s31 =	sand.u32 $0x7, s13;
	s14 =	sadd.s32 s5, s30;
	[sflag:s6] =	ssyncadd.s32 $0xFFFFFE00  }
0x1b: {  	[hbm4b:s14+s31] =	stream.linear.scatter [tilespmem:s15], [sflag:$0x3], $0x200, $0x38;
	[tilespmem:$0x800] =	vst v63  }
.LBB2_5:
0x1c: {  	s15 =	sadd.s32 $0x4000, s11  }
0x1d: {  	p2 =	sgt.s32 s15, $0x5FFF  }
0x1e: {  	s15 =	smov.u32 @p2 s2;
	p2 =	sne.s32 s12, s9  }
.Ltmp1:
0x1f: {  	p1 =	slt.u32 s12, $0x2;
	(pc) =	sbr.rel @!p2 .LBB2_6-.Ltmp1, $4  }
0x20: {  	s14 =	simm.s32 @!p1 $0x3  }
0x21: {  	s16 =	sadd.s32 $0x1, s12;
	_ =	swait.ge @!p1 [sflag:s14], $0x200  }
0x22: {  	s13 =	smov.u32 s11;
	p0 =	por !p0, !p0;
	[sflag:s14] =	ssyncset.done @!p1 $0x0  }
0x23: {  	s12 =	smov.u32 s16;
	s11 =	smov.u32 s15;
	[sflag:s14] =	ssyncadd.s32 @!p1 $0xFFFFFE00  }
.LBB2_1:
0x24: {  	p1 =	sge.u32 s12, s8  }
0x25: {  	s14 =	sxor.u32 @!p1 $0xFFFFFFFF, s12  }
0x26: {  	s31 =	sadd.s32 $0xFFFFFFFF, s12;
	s15 =	sshrl.u32 @!p1 s11, $0x3;
	s14 =	sshll.u32 @!p1 s14, $0x9  }
0x27: {  	s16 =	sand.u32 @!p1 $0x7, s11;
	s15 =	sadd.s32 @!p1 s4, s15;
	s14 =	sand.u32 @!p1 $0x200, s14  }
0x28: {  	[tilespmem:s14], [sflag:$0x2] =	stream.linear.gather @!p1 [hbm4b:s15+s16], $0x200, $0x38;
	[tilespmem:$0x800] =	vst v63  }
0x29: {  	p1 =	sge.u32 s31, s8  }
.Ltmp2:
0x2a: {  	_ = 	snop;
	(pc) =	sbr.rel @p1 .LBB2_5-.Ltmp2, $1  }
0x2b: {  	_ =	sdelay $0x3  }
0x2c: {  	s14 =	simm.s32 $0x1  }
0x2d: {  	_ =	swait.ge [sflag:s7], $0x200;
	s14 =	simm.s32 @!p0 $0x0  }
0x2e: {  	[sflag:s7] =	ssyncset.done $0x0;
	s14 =	sshll.u32 s14, $0x9  }
0x2f: {  	[sflag:s7] =	ssyncadd.s32 $0xFFFFFE00;
	(ifvalue) =	ssetifvalue $0x7FFFFFFF;
	v0 =	vld.msk [tilespmem:s14+$0x0 ss:$0x1], $0xffff;
	_ =	sdelay $0x4  }
0x30: {  	s15 =	sadd.s32 $0x10, s14;
	vm1 =	veq.s32 v0, $0x80000000;
	v1 =	vshrl.u32 v0, $0x3;
	v2 =	vshrl.u32 v0, $0xD  }
0x31: {  	v3 =	vld.msk [tilespmem:s15+$0x0 ss:$0x1], $0xffff;
	v0 =	vshll.u32 v0, $0x12;
	v1 =	vand.u32 $0x3FF, v1;
	v2 =	vand.u32 $0xFF, v2  }
0x32: {  	v0 =	vand.u32 $0x1C0000, v0;
	v1 =	vsel vm1, $0xFFFFFFFF, v1;
	v2 =	vsel vm1, $0xFFFFFFFF, v2  }
0x33: {  	v0 =	vsel vm1, $0xFFFC0000, v0;
	v4 =	vand.u32 $0x7F, v2;
	v5 =	vshll.u32 v1, $0x8  }
0x34: {  	v2 =	vshll.u32 v2, $0x3;
	v5 =	vand.u32 $0xFFFFF800, v5;
	v0 =	vor.u32 v0, v4  }
0x35: {  	v1 =	vshll.u32 v1, $0x7;
	v2 =	vand.u32 $0xFFFFFC00, v2;
	v0 =	vadd.s32 v5, v0  }
0x36: {  	v62 =	vshrl.u32 v3, $0xD;
	v1 =	vand.u32 $0x380, v1;
	v0 =	vadd.s32 v2, v0  }
0x37: {  	s17 =	sadd.s32 $0x10, s15;
	vm1 =	veq.s32 v3, $0x80000000;
	v2 =	vshrl.u32 v3, $0x3;
	v1 =	vor.u32 v1, v0  }
0x38: {  	v4 =	vand.u32 $0xFF, v62;
	v3 =	vshll.u32 v3, $0x12;
	v0 =	vld.msk [tilespmem:s17+$0x0 ss:$0x1], $0xffff;
	v2 =	vand.u32 $0x3FF, v2  }
0x39: {  	v4 =	vsel vm1, $0xFFFFFFFF, v4;
	v3 =	vand.u32 $0x1C0000, v3;
	v2 =	vsel vm1, $0xFFFFFFFF, v2  }
0x3a: {  	s31 =	sshll.u32 s12, $0x9;
	v63 =	vand.u32 $0x7F, v4;
	v3 =	vsel vm1, $0xFFFC0000, v3;
	v6 =	vshll.u32 v2, $0x8  }
0x3b: {  	s14 =	sor.u32 $0x400, s14;
	s15 =	sand.u32 $0x200, s31;
	v4 =	vshll.u32 v4, $0x3;
	(ifvalue) =	ssetifvalue $0x7FFFFFFF;
	v3 =	vor.u32 v3, v63;
	v6 =	vand.u32 $0xFFFFF800, v6  }
0x3c: {  	v4 =	vand.u32 $0xFFFFFC00, v4;
	[tilespmem:s14], [sflag:$0x1] =	stream.indirect_vreg.gather [hbm4b:s3+s10], $0x1, v1, vm0, $0x4038;
	v1 =	vshll.u32 v2, $0x7;
	v2 =	vadd.s32 v6, v3;
	[tilespmem:$0x800] =	vst v63  }
0x3d: {  	s16 =	simm.s32 $0x20;
	s15 =	sor.u32 $0x400, s15;
	s17 =	sadd.s32 $0x10, s17;
	vm1 =	veq.s32 v0, $0x80000000;
	v1 =	vand.u32 $0x380, v1;
	v2 =	vadd.s32 v4, v2  }
.LBB2_3:
0x3e: {  	v3 =	vld.msk [tilespmem:s17+$0x0 ss:$0x1], $0xffff;
	v4 =	vshrl.u32 v0, $0x3;
	v5 =	vshrl.u32 v0, $0xD;
	v1 =	vor.u32 v1, v2;
	s16 =	sadd.s32 $0x10, s16  }
0x3f: {  	v0 =	vshll.u32 v0, $0x12;
	v2 =	vand.u32 $0x3FF, v4;
	v4 =	vand.u32 $0xFF, v5;
	p1 =	slt.u32 s16, $0x1F0  }
.Ltmp3:
0x40: {  	v0 =	vand.u32 $0x1C0000, v0;
	v2 =	vsel vm1, $0xFFFFFFFF, v2;
	v4 =	vsel vm1, $0xFFFFFFFF, v4;
	(pc) =	sbr.rel @p1 .LBB2_3-.Ltmp3, $4  }
0x41: {  	v0 =	vsel vm1, $0xFFFC0000, v0;
	v5 =	vand.u32 $0x7F, v4;
	v6 =	vshll.u32 v2, $0x8  }
0x42: {  	s14 =	sadd.s32 $0x10, s14;
	v4 =	vshll.u32 v4, $0x3;
	v6 =	vand.u32 $0xFFFFF800, v6;
	v7 =	vor.u32 v0, v5;
	(ifvalue) =	ssetifvalue $0x7FFFFFFF  }
0x43: {  	v2 =	vshll.u32 v2, $0x7;
	v4 =	vand.u32 $0xFFFFFC00, v4;
	v5 =	vadd.s32 v6, v7;
	[tilespmem:s14], [sflag:$0x1] =	stream.indirect_vreg.gather [hbm4b:s3+s10], $0x1, v1, vm0, $0x4038;
	[tilespmem:$0x800] =	vst v63  }
0x44: {  	s17 =	sadd.s32 $0x10, s17;
	vm1 =	veq.s32 v3, $0x80000000;
	v1 =	vand.u32 $0x380, v2;
	v0 =	vmovc v3;
	v2 =	vadd.s32 v4, v5  }
.Ltmp4:
0x45: {  	_ = 	snop;
	(pc) =	sbr.rel .LBB2_4-.Ltmp4, $1  }
0x46: {  	_ =	sdelay $0x3  }
.LBB2_6:
0x47: {  	_ =	sfence.sel $0x180000  }
0x48: {  	s2 =	simm.s32 $0x2;
	[bflag:$0x0] =	sbarrier.arrive $0xFFFF  }
0x49: {  	s30 =	simm.s32 $0x3;
	[sflag:s2] =	ssyncpa.u1 $0x1  }
0x4a: {  	s31 =	simm.s32 $0x1;
	[sflag:s30] =	ssyncpa.u1 $0x1  }
0x4b: {  	[sflag:s31] =	ssyncpa.u1 $0x1  }
0x4c: {  	p0 =	sne.s32 s1, $0x0;
	_ =	strace $0x90000056  }
0x4d: {  	s0 =	sadd.s32 @!p0 $0x100000, s0;
	[bflag:$0x2] =	sbarrier.arrive $0xFFFF  }
0x4e: {  	[sflag:s0] =	ssyncadd.tile.s32 @!p0 $0x1;
	_ =	shalt  }
.Lfunc_end2:
_tile_overlayer_lowered:
.L_overlay_start_2:
0x4f: {  	(tag) =	ssettag $0x2  }
0x50: {  	s0 =	rddreg [dreg:$0x0];
	s2 =	stileid.u32  }
0x51: {  	s1 =	rddreg [dreg:$0x1];
	p0 =	sne.s32 s2, $0x0  }
0x52: {  	s3 =	rddreg [dreg:$0x2];
	[bflag:$0x3] =	sbarrier.arrive $0xFFFF;
	s2 =	simm.s32 @!p0 $0x1C01  }
0x53: {  	[timem:s3], [sflag:s2] =	dma.local @!p0 [hbm:s0], s1  }
0x54: {  	s0 =	simm.s32 @!p0 $0x1  }
0x55: {  	_ =	swait.ge @!p0 [sflag:s0], s1  }
0x56: {  	s1 =	ssub.s32 @!p0 $0x0, s1;
	[sflag:s0] =	ssyncset.done @!p0 $0x0  }
0x57: {  	[sflag:s0] =	ssyncadd.s32 @!p0 s1  }
0x58: {  	[bflag:$0x3] =	sbarrier.arrive $0xFFFF  }
0x59: {  	_ =	shalt  }

// kernel: gather_offload_async_start.5
scs
__scs_entry_jumppad:
0x0: {  	(pc) =	sbr.rel $0x88, $3  }
0x1: {  	(tag) =	ssettag $0x0;
	lr =	simm.s32 $0x1  }
0x2: {  	[smem:$0x3F45] =	sst lr;
	_ =	strace $0xD0000000  }
0x3: {  	_ = 	snop  }
0x4: {  	_ = 	snop  }
0x5: {  	_ = 	snop  }
0x6: {  	_ = 	snop  }
0x7: {  	_ = 	snop  }
__scs_overlays_trampoline_lowered:
0x8: {  	[smem:$0x3F54] =	sst s0  }
0x9: {  	[smem:$0x3F55] =	sst s1  }
0xa: {  	[smem:$0x3F56] =	sst s2  }
0xb: {  	[smem:$0x3F57] =	sst s3  }
0xc: {  	[smem:$0x3F58] =	sst s4  }
0xd: {  	[smem:$0x3F59] =	sst s5  }
0xe: {  	[smem:$0x3F5A] =	sst s6  }
0xf: {  	[smem:$0x3F5B] =	sst s7  }
0x10: {  	[smem:$0x3F5C] =	sst s8  }
0x11: {  	[smem:$0x3F5D] =	sst s9;
	s0 =	simm.s32 @!p0 $0x0  }
0x12: {  	s1 =	sld [smem:$0x3F43];
	s0 =	simm.s32 @p0 $0x1  }
0x13: {  	[smem:$0x3F5E] =	sst s0;
	s0 =	simm.s32 @!p1 $0x0  }
0x14: {  	s2 =	sld [smem:$0x3F42];
	s0 =	simm.s32 @p1 $0x1  }
0x15: {  	[smem:$0x3F5F] =	sst s0;
	s0 =	simm.s32 @!p2 $0x0  }
0x16: {  	s3 =	sld [smem:$0x3FDB];
	s0 =	simm.s32 @p2 $0x1  }
0x17: {  	s4 =	simm.s32 $0x1BF5;
	[smem:$0x3F61] =	sst s0  }
0x18: {  	s0 =	sld [smem:$0x3F44];
	_ =	swait.ge [sflag:s4], $0x0  }
0x19: {  	s7 =	sld [smem:$0x3F45]  }
0x1a: {  	s8 =	sadd.s32 $0xFFFFE003, lr  }
0x1b: {  	s9 =	sadd.s32 $0xFFFFFEF7, lr;
	s5 =	simm.s32 $0xFFFFFFFF;
	p2 =	slt.u32 s8, $0xFFFFF086  }
0x1c: {  	p1 =	slt.u32 s9, $0xF7A;
	s5 =	simm.s32 @!p2 $0x0  }
0x1d: {  	s5 =	simm.s32 @p1 $0x1;
	p0 =	seq.s32 s7, s2  }
0x1e: {  	s7 =	smul.u32 @!p0 $0xF7A, s2;
	p2 =	seq.s32 @!p0 s5, $0x0  }
0x1f: {  	s9 =	smul.u32 $0xF7A, s1;
	s8 =	simm.s32 @!p0 $0x1BF5;
	p2 =	por !p2, p0  }
0x20: {  	[sflag:s8] =	ssyncset.s32 @!p0 $0xFFFFF086;
	s6 =	sadd.s32 @!p0 s3, s7;
	s7 =	simm.s32 @!p0 $0x108  }
0x21: {  	s3 =	sadd.s32 s3, s9;
	s6 =	sadd.s32 @!p0 $0x88, s6;
	s7 =	simm.s32 @p2 $0x1082  }
0x22: {  	[simem:s7], [sflag:s8] =	dma.local @!p0 [hbm:s6], $0xF7A  }
0x23: {  	s9 =	sor.u32 $0xD0000000, s2;
	s6 =	simm.s32 $0x108;
	_ =	swait.ge @!p0 [sflag:s8], $0x0  }
0x24: {  	s3 =	sadd.s32 $0x88, s3;
	s6 =	simm.s32 @!p1 $0x1082;
	[sflag:s4] =	ssyncset.s32 $0xFFFFF086  }
0x25: {  	[simem:s6], [sflag:s4] =	dma.local [hbm:s3], $0xF7A  }
0x26: {  	[smem:$0x3F45] =	sst s1;
	(tag) =	ssettag s2;
	_ =	strace s9  }
0x27: {  	s1 =	sld [smem:$0x3F55]  }
0x28: {  	s2 =	sld [smem:$0x3F56]  }
0x29: {  	s4 =	sld [smem:$0x3F58]  }
0x2a: {  	p0 =	seq.s32 s5, $0x0;
	s5 =	sld [smem:$0x3F59]  }
0x2b: {  	s6 =	sld [smem:$0x3F5A]  }
0x2c: {  	s7 =	sld [smem:$0x3F5B]  }
0x2d: {  	s3 =	simm.s32 $0x108;
	s8 =	sld [smem:$0x3F5C]  }
0x2e: {  	s3 =	simm.s32 @!p0 $0x1082;
	s9 =	sld [smem:$0x3F5D]  }
0x2f: {  	lr =	sadd.s32 s0, s3;
	s0 =	sld [smem:$0x3F54]  }
0x30: {  	s3 =	sld [smem:$0x3F57]  }
0x31: {  	[smem:$0x3F60] =	sst s10  }
0x32: {  	s10 =	sld [smem:$0x3F5E];
	_ =	sdelay $0x3  }
0x33: {  	p0 =	seq.s32 s10, $0x1;
	s10 =	sld [smem:$0x3F60];
	_ =	sdelay $0x3  }
0x34: {  	[smem:$0x3F60] =	sst s10  }
0x35: {  	s10 =	sld [smem:$0x3F5F];
	_ =	sdelay $0x3  }
0x36: {  	p1 =	seq.s32 s10, $0x1;
	s10 =	sld [smem:$0x3F60];
	_ =	sdelay $0x3  }
0x37: {  	[smem:$0x3F60] =	sst s10  }
0x38: {  	s10 =	sld [smem:$0x3F61]  }
0x39: {  	_ = 	snop;
	(pc) =	sbr.ind lr, $3  }
0x3a: {  	_ = 	snop  }
0x3b: {  	_ = 	snop  }
0x3c: {  	p2 =	seq.s32 s10, $0x1;
	s10 =	sld [smem:$0x3F60]  }
0x3d: {  	_ =	shalt  }
0x3e: {  	_ =	shalt  }
0x3f: {  	_ =	shalt  }
0x40: {  	_ =	shalt  }
0x41: {  	_ =	shalt  }
0x42: {  	_ =	shalt  }
0x43: {  	_ =	shalt  }
0x44: {  	_ =	shalt  }
0x45: {  	_ =	shalt  }
0x46: {  	_ =	shalt  }
0x47: {  	_ =	shalt  }
0x48: {  	_ =	shalt  }
0x49: {  	_ =	shalt  }
0x4a: {  	_ =	shalt  }
0x4b: {  	_ =	shalt  }
0x4c: {  	_ =	shalt  }
0x4d: {  	_ =	shalt  }
0x4e: {  	_ =	shalt  }
0x4f: {  	_ =	shalt  }
0x50: {  	_ =	shalt  }
0x51: {  	_ =	shalt  }
0x52: {  	_ =	shalt  }
0x53: {  	_ =	shalt  }
0x54: {  	_ =	shalt  }
0x55: {  	_ =	shalt  }
0x56: {  	_ =	shalt  }
0x57: {  	_ =	shalt  }
0x58: {  	_ =	shalt  }
0x59: {  	_ =	shalt  }
0x5a: {  	_ =	shalt  }
0x5b: {  	_ =	shalt  }
0x5c: {  	_ =	shalt  }
0x5d: {  	_ =	shalt  }
0x5e: {  	_ =	shalt  }
0x5f: {  	_ =	shalt  }
0x60: {  	_ =	shalt  }
0x61: {  	_ =	shalt  }
0x62: {  	_ =	shalt  }
0x63: {  	_ =	shalt  }
0x64: {  	_ =	shalt  }
0x65: {  	_ =	shalt  }
0x66: {  	_ =	shalt  }
0x67: {  	_ =	shalt  }
0x68: {  	_ =	shalt  }
0x69: {  	_ =	shalt  }
0x6a: {  	_ =	shalt  }
0x6b: {  	_ =	shalt  }
0x6c: {  	_ =	shalt  }
0x6d: {  	_ =	shalt  }
0x6e: {  	_ =	shalt  }
0x6f: {  	_ =	shalt  }
0x70: {  	_ =	shalt  }
0x71: {  	_ =	shalt  }
0x72: {  	_ =	shalt  }
0x73: {  	_ =	shalt  }
0x74: {  	_ =	shalt  }
0x75: {  	_ =	shalt  }
0x76: {  	_ =	shalt  }
0x77: {  	_ =	shalt  }
0x78: {  	_ =	shalt  }
0x79: {  	_ =	shalt  }
0x7a: {  	_ =	shalt  }
0x7b: {  	_ =	shalt  }
0x7c: {  	_ =	shalt  }
0x7d: {  	_ =	shalt  }
0x7e: {  	_ =	shalt  }
0x7f: {  	_ =	shalt  }
0x80: {  	_ =	shalt  }
0x81: {  	_ =	shalt  }
0x82: {  	_ =	shalt  }
0x83: {  	_ =	shalt  }
0x84: {  	_ =	shalt  }
0x85: {  	_ =	shalt  }
0x86: {  	_ =	shalt  }
0x87: {  	_ =	shalt  }
.Lfunc_end0:
.L_simem_size_0:
called_computation.5_lowered:
.L_overlay_start_0:
0x88: {  	s2 =	sld [smem:$0x3FD9]  }
0x89: {  	s3 =	sld [smem:$0x3FFE];
	_ =	sdelay $0x1  }
0x8a: {  	s1 =	srdreg.scid  }
0x8b: {  	s0 =	sand.u32 $0x1, s1  }
0x8c: {  	s16 =	sshll.u32 s0, $0xA;
	s2 =	sadd.s32 s3, s2  }
0x8d: {  	s2 =	sadd.s32 s2, s16  }
0x8e: {  	[smem:$0x3F6C] =	sst s2  }
0x8f: {  	_ = 	snop  }
0x90: {  	(tm) =	ssettm $0x1  }
0x91: {  	s17 =	sld [smem:$0x3FFB];
	_ =	sdelay $0x3  }
0x92: {  	_ =	strace s17  }
0x93: {  	s2 =	sld [smem:$0x3FFC];
	_ =	sdelay $0x3  }
0x94: {  	_ =	strace s2  }
0x95: {  	s2 =	sld [smem:$0x3FFD];
	_ =	sdelay $0x3  }
0x96: {  	_ =	strace s2  }
0x97: {  	_ =	strace $0x8FFFFFFF  }
0x98: {  	s18 =	sld [smem:$0x3FDB];
	_ =	sdelay $0x1  }
0x99: {  	s19 =	simm.s32 $_scs_section_size  }
0x9a: {  	s4 =	simm.s32 $_size__tile_overlayer_lowered;
	s5 =	simm.s32 $_tile_overlayer_lowered  }
0x9b: {  	s22 =	simm.s32 $0x1BFF;
	s21 =	sshll.u32 s5, $0x1;
	s2 =	sadd.s32 s19, s18  }
0x9c: {  	s6 =	simm.s32 $0x0;
	s20 =	sshll.u32 s4, $0x1;
	s4 =	sadd.s32 s21, s2  }
0x9d: {  	[timem:s6], [sflag:s22] =	dma.local [hbm:s4], s20  }
0x9e: {  	_ =	swait.ge [sflag:s22], s20  }
0x9f: {  	s3 =	ssub.s32 $0x0, s20;
	[sflag:s22] =	ssyncset.done $0x0  }
0xa0: {  	[sflag:s22] =	ssyncadd.s32 s3;
	_ =	sdelay $0x1  }
0xa1: {  	s23 =	simm.s32 $0x1B8B  }
0xa2: {  	_ =	swait.ge [sflag:s23], $0x1  }
0xa3: {  	[sflag:s23] =	ssyncset.done $0x0  }
0xa4: {  	s25 =	simm.s32 $0x1B8E;
	s24 =	sld [smem:$0x3FFE];
	[sflag:s23] =	ssyncadd.s32 $0xFFFFFFFF  }
0xa5: {  	s26 =	simm.s32 $execute0_lowered;
	[smem:$0x3FD2] =	sst s25  }
0xa6: {  	s4 =	sshll.u32 s26, $0x1;
	_ =	strace $0x80000049;
	[dreg:$0x1] =	wrdreg $0xFFFFFFFF  }
0xa7: {  	s28 =	simm.s32 $_size_execute0_lowered;
	s2 =	sadd.s32 s2, s4;
	[dreg:$0x0] =	wrdreg $0x0  }
0xa8: {  	s4 =	sshll.u32 s28, $0x1;
	[dreg:$0x2] =	wrdreg s2  }
0xa9: {  	[dreg:$0x3] =	wrdreg s4  }
0xaa: {  	[dreg:$0x4] =	wrdreg $0xC0  }
0xab: {  	_ =	task [dreg:s6], $0x5FFFF  }
0xac: {  	[dreg:$0x1] =	wrdreg $0xFFFFFFFF  }
0xad: {  	[dreg:$0x0] =	wrdreg $0x60  }
0xae: {  	[dreg:$0x2] =	wrdreg s24  }
0xaf: {  	[dreg:$0x3] =	wrdreg $0x9  }
0xb0: {  	_ =	task.clear_ibuf [dreg:s6], $0x4FFFF;
	_ =	strace $0x90000049  }
0xb1: {  	s29 =	simm.s32 $0x9;
	_ =	strace $0x8000004B  }
0xb2: {  	_ =	swait.ge [sflag:s29], $0x1  }
0xb3: {  	[sflag:s29] =	ssyncadd.s32 $0xFFFFFFFF  }
0xb4: {  	_ =	strace $0x9000004B  }
0xb5: {  	_ =	sfence  }
0xb6: {  	s30 =	sld [smem:$0x0];
	_ =	sdelay $0x2  }
0xb7: {  	s31 =	sshll.u32 s1, $0xD;
	s1 =	sshrl.u32 s1, $0x2  }
0xb8: {  	s3 =	sand.u32 $0x4000, s31;
	s1 =	sadd.s32 s1, s30  }
0xb9: {  	s0 =	sor.u32 s3, s0;
	s1 =	sshll.u32 s1, $0x11  }
0xba: {  	s0 =	sor.u32 s1, s0  }
0xbb: {  	s0 =	sadd.s32 $0x8F2B, s0  }
0xbc: {  	[sflag:s0] =	ssyncadd.remote.s32 $0x1  }
0xbd: {  	_ =	sfence.sel $0xFFFF  }
0xbe: {  	[dreg:$0x0] =	wrdreg $0xFFFFFFFF;
	(pc) =	sbr.abs _section_cstart, $3  }
0xbf: {  	[dreg:$0x1] =	wrdreg $0xFFFFFFFF  }
0xc0: {  	_ =	task.clear_ibuf [dreg:s6], $0x2FFFF;
	_ =	strace $0x9FFFFFFF  }
0xc1: {  	(tm) =	ssettm $0x7FFFFFFF  }
tec
execute0_lowered:
.L_overlay_start_1:
0x0: {  	(tag) =	ssettag $0x1  }
0x1: {  	s0 =	srdreg.scid;
	s5 =	rddreg [dreg:$0x0]  }
0x2: {  	s1 =	stileid.u32;
	s6 =	simm.s32 $0x1;
	s9 =	simm.s32 $0x1  }
0x3: {  	s10 =	simm.s32 $0x3;
	s13 =	simm.s32 $0x0;
	s2 =	sshll.u32 s0, $0xB  }
0x4: {  	s12 =	simm.s32 $0x0;
	s3 =	sshll.u32 s1, $0xC;
	s2 =	sand.u32 $0x800, s2  }
0x5: {  	s0 =	rddreg [dreg:$0x1];
	_ =	strace $0x8000004A;
	s2 =	sor.u32 s3, s2  }
0x6: {  	s4 =	sadd.s32 $0xB6C00, s5;
	[sflag:s6] =	ssyncpa.u1 $0x0;
	s8 =	ssub.s32 $0x18000, s2  }
.Ltmp0:
0x7: {  	s3 =	sadd.s32 $0xE5400, s5;
	s7 =	sand.u32 $0xF800, s8;
	(pc) =	sbr.rel .LBB2_1-.Ltmp0, $4  }
0x8: {  	s5 =	sadd.s32 $0xB9C00, s5;
	s11 =	smov.u32 s2;
	p0 =	sne.s32 s7, $0x0  }
0x9: {  	s8 =	sshrl.u32 s8, $0x10;
	s7 =	simm.s32 $0x2;
	s9 =	simm.s32 @!p0 $0x0  }
0xa: {  	[sflag:s7] =	ssyncpa.u1 $0x0;
	p0 =	por $0x0, $0x0;
	s8 =	sadd.s32 s9, s8  }
0xb: {  	vm0 =	vmmov $0xffff;
	[sflag:s10] =	ssyncpa.u1 $0x0;
	s10 =	simm.s32 $0x0;
	s9 =	sadd.s32 $0x1, s8  }
.LBB2_4:
0xc: {  	v3 =	vshrl.u32 v0, $0x3;
	v4 =	vshrl.u32 v0, $0xF;
	v1 =	vor.u32 v1, v2  }
0xd: {  	v62 =	vshll.u32 v0, $0x16;
	v60 =	vand.u32 $0xFFF, v3;
	v61 =	vand.u32 $0x3FF, v4  }
0xe: {  	v0 =	vand.u32 $0x1C00000, v62;
	v2 =	vsel vm1, $0xFFFFFFFF, v60;
	v3 =	vsel vm1, $0xFFFFFFFF, v61  }
0xf: {  	v0 =	vsel vm1, $0xFFC00000, v0;
	v63 =	vand.u32 $0x7F, v2;
	v5 =	vshll.u32 v3, $0xC  }
0x10: {  	v2 =	vshll.u32 v2, $0x3;
	v5 =	vand.u32 $0xFFFF8000, v5;
	v0 =	vor.u32 v0, v63  }
0x11: {  	v3 =	vshll.u32 v3, $0x7;
	v2 =	vand.u32 $0xFFFFFC00, v2;
	v0 =	vadd.s32 v5, v0  }
0x12: {  	v3 =	vand.u32 $0x380, v3;
	v0 =	vadd.s32 v2, v0  }
0x13: {  	v0 =	vor.u32 v3, v0;
	_ =	sdelay $0x1  }
0x14: {  	(ifvalue) =	ssetifvalue $0x7FFFFFFF;
	s14 =	sadd.s32 $0x10, s14  }
0x15: {  	[tilespmem:s14], [sflag:$0x1] =	stream.indirect_vreg.gather [hbm4b:s3+s10], $0x1, v1, vm0, $0x4038;
	[tilespmem:$0x2000] =	vst v63  }
0x16: {  	(ifvalue) =	ssetifvalue $0x7FFFFFFF;
	s14 =	sadd.s32 $0x10, s14  }
0x17: {  	[tilespmem:s14], [sflag:$0x1] =	stream.indirect_vreg.gather [hbm4b:s3+s10], $0x1, v0, vm0, $0x4038;
	[tilespmem:$0x2000] =	vst v63  }
0x18: {  	_ =	swait.ge [sflag:s6], $0x800  }
0x19: {  	s30 =	sshrl.u32 s13, $0x3;
	[sflag:s6] =	ssyncset.done $0x0  }
0x1a: {  	s31 =	sand.u32 $0x7, s13;
	s14 =	sadd.s32 s5, s30;
	[sflag:s6] =	ssyncadd.s32 $0xFFFFF800  }
0x1b: {  	[hbm4b:s14+s31] =	stream.linear.scatter [tilespmem:s15], [sflag:$0x3], $0x800, $0x38;
	[tilespmem:$0x2000] =	vst v63  }
.LBB2_5:
0x1c: {  	s15 =	sadd.s32 $0x10000, s11  }
0x1d: {  	p2 =	sgt.s32 s15, $0x17FFF  }
0x1e: {  	s15 =	smov.u32 @p2 s2;
	p2 =	sne.s32 s12, s9  }
.Ltmp1:
0x1f: {  	p1 =	slt.u32 s12, $0x2;
	(pc) =	sbr.rel @!p2 .LBB2_6-.Ltmp1, $4  }
0x20: {  	s14 =	simm.s32 @!p1 $0x3  }
0x21: {  	s16 =	sadd.s32 $0x1, s12;
	_ =	swait.ge @!p1 [sflag:s14], $0x800  }
0x22: {  	s13 =	smov.u32 s11;
	p0 =	por !p0, !p0;
	[sflag:s14] =	ssyncset.done @!p1 $0x0  }
0x23: {  	s12 =	smov.u32 s16;
	s11 =	smov.u32 s15;
	[sflag:s14] =	ssyncadd.s32 @!p1 $0xFFFFF800  }
.LBB2_1:
0x24: {  	p1 =	sge.u32 s12, s8  }
0x25: {  	s14 =	sxor.u32 @!p1 $0xFFFFFFFF, s12  }
0x26: {  	s31 =	sadd.s32 $0xFFFFFFFF, s12;
	s15 =	sshrl.u32 @!p1 s11, $0x3;
	s14 =	sshll.u32 @!p1 s14, $0xB  }
0x27: {  	s16 =	sand.u32 @!p1 $0x7, s11;
	s15 =	sadd.s32 @!p1 s4, s15;
	s14 =	sand.u32 @!p1 $0x800, s14  }
0x28: {  	[tilespmem:s14], [sflag:$0x2] =	stream.linear.gather @!p1 [hbm4b:s15+s16], $0x800, $0x38;
	[tilespmem:$0x2000] =	vst v63  }
0x29: {  	p1 =	sge.u32 s31, s8  }
.Ltmp2:
0x2a: {  	_ = 	snop;
	(pc) =	sbr.rel @p1 .LBB2_5-.Ltmp2, $1  }
0x2b: {  	_ =	sdelay $0x3  }
0x2c: {  	s14 =	simm.s32 $0x1  }
0x2d: {  	_ =	swait.ge [sflag:s7], $0x800;
	s14 =	simm.s32 @!p0 $0x0  }
0x2e: {  	[sflag:s7] =	ssyncset.done $0x0;
	s14 =	sshll.u32 s14, $0xB  }
0x2f: {  	[sflag:s7] =	ssyncadd.s32 $0xFFFFF800;
	(ifvalue) =	ssetifvalue $0x7FFFFFFF;
	v0 =	vld.msk [tilespmem:s14+$0x0 ss:$0x1], $0xffff;
	_ =	sdelay $0x4  }
0x30: {  	s15 =	sadd.s32 $0x10, s14;
	vm1 =	veq.s32 v0, $0x80000000;
	v1 =	vshrl.u32 v0, $0x3;
	v2 =	vshrl.u32 v0, $0xF  }
0x31: {  	v3 =	vld.msk [tilespmem:s15+$0x0 ss:$0x1], $0xffff;
	v0 =	vshll.u32 v0, $0x16;
	v1 =	vand.u32 $0xFFF, v1;
	v2 =	vand.u32 $0x3FF, v2  }
0x32: {  	v0 =	vand.u32 $0x1C00000, v0;
	v1 =	vsel vm1, $0xFFFFFFFF, v1;
	v2 =	vsel vm1, $0xFFFFFFFF, v2  }
0x33: {  	v0 =	vsel vm1, $0xFFC00000, v0;
	v4 =	vand.u32 $0x7F, v1;
	v5 =	vshll.u32 v2, $0xC  }
0x34: {  	v1 =	vshll.u32 v1, $0x3;
	v5 =	vand.u32 $0xFFFF8000, v5;
	v0 =	vor.u32 v0, v4  }
0x35: {  	v2 =	vshll.u32 v2, $0x7;
	v1 =	vand.u32 $0xFFFFFC00, v1;
	v0 =	vadd.s32 v5, v0  }
0x36: {  	v62 =	vshrl.u32 v3, $0xF;
	v2 =	vand.u32 $0x380, v2;
	v0 =	vadd.s32 v1, v0  }
0x37: {  	s17 =	sadd.s32 $0x10, s15;
	vm1 =	veq.s32 v3, $0x80000000;
	v1 =	vor.u32 v2, v0;
	v2 =	vshrl.u32 v3, $0x3  }
0x38: {  	v4 =	vand.u32 $0x3FF, v62;
	v0 =	vld.msk [tilespmem:s17+$0x0 ss:$0x1], $0xffff;
	v3 =	vshll.u32 v3, $0x16;
	v2 =	vand.u32 $0xFFF, v2  }
0x39: {  	v4 =	vsel vm1, $0xFFFFFFFF, v4;
	v3 =	vand.u32 $0x1C00000, v3;
	v2 =	vsel vm1, $0xFFFFFFFF, v2  }
0x3a: {  	s31 =	sshll.u32 s12, $0xB;
	v6 =	vshll.u32 v4, $0xC;
	v3 =	vsel vm1, $0xFFC00000, v3;
	v63 =	vand.u32 $0x7F, v2  }
0x3b: {  	s14 =	sor.u32 $0x1000, s14;
	s15 =	sand.u32 $0x800, s31;
	(ifvalue) =	ssetifvalue $0x7FFFFFFF;
	v6 =	vand.u32 $0xFFFF8000, v6;
	v2 =	vshll.u32 v2, $0x3;
	v3 =	vor.u32 v3, v63  }
0x3c: {  	v2 =	vand.u32 $0xFFFFFC00, v2;
	[tilespmem:s14], [sflag:$0x1] =	stream.indirect_vreg.gather [hbm4b:s3+s10], $0x1, v1, vm0, $0x4038;
	v1 =	vshll.u32 v4, $0x7;
	v3 =	vadd.s32 v6, v3;
	[tilespmem:$0x2000] =	vst v63  }
0x3d: {  	s16 =	simm.s32 $0x20;
	s15 =	sor.u32 $0x1000, s15;
	s17 =	sadd.s32 $0x10, s17;
	vm1 =	veq.s32 v0, $0x80000000;
	v1 =	vand.u32 $0x380, v1;
	v2 =	vadd.s32 v2, v3  }
.LBB2_3:
0x3e: {  	v3 =	vld.msk [tilespmem:s17+$0x0 ss:$0x1], $0xffff;
	v4 =	vshrl.u32 v0, $0x3;
	v5 =	vshrl.u32 v0, $0xF;
	v1 =	vor.u32 v1, v2;
	s16 =	sadd.s32 $0x10, s16  }
0x3f: {  	v0 =	vshll.u32 v0, $0x16;
	v2 =	vand.u32 $0xFFF, v4;
	v4 =	vand.u32 $0x3FF, v5;
	p1 =	slt.u32 s16, $0x7F0  }
.Ltmp3:
0x40: {  	v0 =	vand.u32 $0x1C00000, v0;
	v2 =	vsel vm1, $0xFFFFFFFF, v2;
	v4 =	vsel vm1, $0xFFFFFFFF, v4;
	(pc) =	sbr.rel @p1 .LBB2_3-.Ltmp3, $4  }
0x41: {  	v0 =	vsel vm1, $0xFFC00000, v0;
	v5 =	vand.u32 $0x7F, v2;
	v6 =	vshll.u32 v4, $0xC  }
0x42: {  	s14 =	sadd.s32 $0x10, s14;
	v2 =	vshll.u32 v2, $0x3;
	v6 =	vand.u32 $0xFFFF8000, v6;
	v7 =	vor.u32 v0, v5;
	(ifvalue) =	ssetifvalue $0x7FFFFFFF  }
0x43: {  	v4 =	vshll.u32 v4, $0x7;
	v2 =	vand.u32 $0xFFFFFC00, v2;
	v5 =	vadd.s32 v6, v7;
	[tilespmem:s14], [sflag:$0x1] =	stream.indirect_vreg.gather [hbm4b:s3+s10], $0x1, v1, vm0, $0x4038;
	[tilespmem:$0x2000] =	vst v63  }
0x44: {  	s17 =	sadd.s32 $0x10, s17;
	vm1 =	veq.s32 v3, $0x80000000;
	v1 =	vand.u32 $0x380, v4;
	v0 =	vmovc v3;
	v2 =	vadd.s32 v2, v5  }
.Ltmp4:
0x45: {  	_ = 	snop;
	(pc) =	sbr.rel .LBB2_4-.Ltmp4, $1  }
0x46: {  	_ =	sdelay $0x3  }
.LBB2_6:
0x47: {  	_ =	sfence.sel $0x180000  }
0x48: {  	s2 =	simm.s32 $0x2;
	[bflag:$0x0] =	sbarrier.arrive $0xFFFF  }
0x49: {  	s30 =	simm.s32 $0x3;
	[sflag:s2] =	ssyncpa.u1 $0x1  }
0x4a: {  	s31 =	simm.s32 $0x1;
	[sflag:s30] =	ssyncpa.u1 $0x1  }
0x4b: {  	[sflag:s31] =	ssyncpa.u1 $0x1  }
0x4c: {  	p0 =	sne.s32 s1, $0x0;
	_ =	strace $0x9000004A  }
0x4d: {  	s0 =	sadd.s32 @!p0 $0x100000, s0;
	[bflag:$0x2] =	sbarrier.arrive $0xFFFF  }
0x4e: {  	[sflag:s0] =	ssyncadd.tile.s32 @!p0 $0x1;
	_ =	shalt  }
.Lfunc_end2:
_tile_overlayer_lowered:
.L_overlay_start_2:
0x4f: {  	(tag) =	ssettag $0x2  }
0x50: {  	s0 =	rddreg [dreg:$0x0];
	s2 =	stileid.u32  }
0x51: {  	s1 =	rddreg [dreg:$0x1];
	p0 =	sne.s32 s2, $0x0  }
0x52: {  	s3 =	rddreg [dreg:$0x2];
	[bflag:$0x3] =	sbarrier.arrive $0xFFFF;
	s2 =	simm.s32 @!p0 $0x1C01  }
0x53: {  	[timem:s3], [sflag:s2] =	dma.local @!p0 [hbm:s0], s1  }
0x54: {  	s0 =	simm.s32 @!p0 $0x1  }
0x55: {  	_ =	swait.ge @!p0 [sflag:s0], s1  }
0x56: {  	s1 =	ssub.s32 @!p0 $0x0, s1;
	[sflag:s0] =	ssyncset.done @!p0 $0x0  }
0x57: {  	[sflag:s0] =	ssyncadd.s32 @!p0 s1  }
0x58: {  	[bflag:$0x3] =	sbarrier.arrive $0xFFFF  }
0x59: {  	_ =	shalt  }

// kernel: gather_offload_async_start
scs
__scs_entry_jumppad:
0x0: {  	(pc) =	sbr.rel $0x88, $3  }
0x1: {  	(tag) =	ssettag $0x0;
	lr =	simm.s32 $0x1  }
0x2: {  	[smem:$0x3F45] =	sst lr;
	_ =	strace $0xD0000000  }
0x3: {  	_ = 	snop  }
0x4: {  	_ = 	snop  }
0x5: {  	_ = 	snop  }
0x6: {  	_ = 	snop  }
0x7: {  	_ = 	snop  }
__scs_overlays_trampoline_lowered:
0x8: {  	[smem:$0x3F54] =	sst s0  }
0x9: {  	[smem:$0x3F55] =	sst s1  }
0xa: {  	[smem:$0x3F56] =	sst s2  }
0xb: {  	[smem:$0x3F57] =	sst s3  }
0xc: {  	[smem:$0x3F58] =	sst s4  }
0xd: {  	[smem:$0x3F59] =	sst s5  }
0xe: {  	[smem:$0x3F5A] =	sst s6  }
0xf: {  	[smem:$0x3F5B] =	sst s7  }
0x10: {  	[smem:$0x3F5C] =	sst s8  }
0x11: {  	[smem:$0x3F5D] =	sst s9;
	s0 =	simm.s32 @!p0 $0x0  }
0x12: {  	s1 =	sld [smem:$0x3F43];
	s0 =	simm.s32 @p0 $0x1  }
0x13: {  	[smem:$0x3F5E] =	sst s0;
	s0 =	simm.s32 @!p1 $0x0  }
0x14: {  	s2 =	sld [smem:$0x3F42];
	s0 =	simm.s32 @p1 $0x1  }
0x15: {  	[smem:$0x3F5F] =	sst s0;
	s0 =	simm.s32 @!p2 $0x0  }
0x16: {  	s3 =	sld [smem:$0x3FDB];
	s0 =	simm.s32 @p2 $0x1  }
0x17: {  	s4 =	simm.s32 $0x1BF5;
	[smem:$0x3F61] =	sst s0  }
0x18: {  	s0 =	sld [smem:$0x3F44];
	_ =	swait.ge [sflag:s4], $0x0  }
0x19: {  	s7 =	sld [smem:$0x3F45]  }
0x1a: {  	s8 =	sadd.s32 $0xFFFFE003, lr  }
0x1b: {  	s9 =	sadd.s32 $0xFFFFFEF7, lr;
	s5 =	simm.s32 $0xFFFFFFFF;
	p2 =	slt.u32 s8, $0xFFFFF086  }
0x1c: {  	p1 =	slt.u32 s9, $0xF7A;
	s5 =	simm.s32 @!p2 $0x0  }
0x1d: {  	s5 =	simm.s32 @p1 $0x1;
	p0 =	seq.s32 s7, s2  }
0x1e: {  	s7 =	smul.u32 @!p0 $0xF7A, s2;
	p2 =	seq.s32 @!p0 s5, $0x0  }
0x1f: {  	s9 =	smul.u32 $0xF7A, s1;
	s8 =	simm.s32 @!p0 $0x1BF5;
	p2 =	por !p2, p0  }
0x20: {  	[sflag:s8] =	ssyncset.s32 @!p0 $0xFFFFF086;
	s6 =	sadd.s32 @!p0 s3, s7;
	s7 =	simm.s32 @!p0 $0x108  }
0x21: {  	s3 =	sadd.s32 s3, s9;
	s6 =	sadd.s32 @!p0 $0x88, s6;
	s7 =	simm.s32 @p2 $0x1082  }
0x22: {  	[simem:s7], [sflag:s8] =	dma.local @!p0 [hbm:s6], $0xF7A  }
0x23: {  	s9 =	sor.u32 $0xD0000000, s2;
	s6 =	simm.s32 $0x108;
	_ =	swait.ge @!p0 [sflag:s8], $0x0  }
0x24: {  	s3 =	sadd.s32 $0x88, s3;
	s6 =	simm.s32 @!p1 $0x1082;
	[sflag:s4] =	ssyncset.s32 $0xFFFFF086  }
0x25: {  	[simem:s6], [sflag:s4] =	dma.local [hbm:s3], $0xF7A  }
0x26: {  	[smem:$0x3F45] =	sst s1;
	(tag) =	ssettag s2;
	_ =	strace s9  }
0x27: {  	s1 =	sld [smem:$0x3F55]  }
0x28: {  	s2 =	sld [smem:$0x3F56]  }
0x29: {  	s4 =	sld [smem:$0x3F58]  }
0x2a: {  	p0 =	seq.s32 s5, $0x0;
	s5 =	sld [smem:$0x3F59]  }
0x2b: {  	s6 =	sld [smem:$0x3F5A]  }
0x2c: {  	s7 =	sld [smem:$0x3F5B]  }
0x2d: {  	s3 =	simm.s32 $0x108;
	s8 =	sld [smem:$0x3F5C]  }
0x2e: {  	s3 =	simm.s32 @!p0 $0x1082;
	s9 =	sld [smem:$0x3F5D]  }
0x2f: {  	lr =	sadd.s32 s0, s3;
	s0 =	sld [smem:$0x3F54]  }
0x30: {  	s3 =	sld [smem:$0x3F57]  }
0x31: {  	[smem:$0x3F60] =	sst s10  }
0x32: {  	s10 =	sld [smem:$0x3F5E];
	_ =	sdelay $0x3  }
0x33: {  	p0 =	seq.s32 s10, $0x1;
	s10 =	sld [smem:$0x3F60];
	_ =	sdelay $0x3  }
0x34: {  	[smem:$0x3F60] =	sst s10  }
0x35: {  	s10 =	sld [smem:$0x3F5F];
	_ =	sdelay $0x3  }
0x36: {  	p1 =	seq.s32 s10, $0x1;
	s10 =	sld [smem:$0x3F60];
	_ =	sdelay $0x3  }
0x37: {  	[smem:$0x3F60] =	sst s10  }
0x38: {  	s10 =	sld [smem:$0x3F61]  }
0x39: {  	_ = 	snop;
	(pc) =	sbr.ind lr, $3  }
0x3a: {  	_ = 	snop  }
0x3b: {  	_ = 	snop  }
0x3c: {  	p2 =	seq.s32 s10, $0x1;
	s10 =	sld [smem:$0x3F60]  }
0x3d: {  	_ =	shalt  }
0x3e: {  	_ =	shalt  }
0x3f: {  	_ =	shalt  }
0x40: {  	_ =	shalt  }
0x41: {  	_ =	shalt  }
0x42: {  	_ =	shalt  }
0x43: {  	_ =	shalt  }
0x44: {  	_ =	shalt  }
0x45: {  	_ =	shalt  }
0x46: {  	_ =	shalt  }
0x47: {  	_ =	shalt  }
0x48: {  	_ =	shalt  }
0x49: {  	_ =	shalt  }
0x4a: {  	_ =	shalt  }
0x4b: {  	_ =	shalt  }
0x4c: {  	_ =	shalt  }
0x4d: {  	_ =	shalt  }
0x4e: {  	_ =	shalt  }
0x4f: {  	_ =	shalt  }
0x50: {  	_ =	shalt  }
0x51: {  	_ =	shalt  }
0x52: {  	_ =	shalt  }
0x53: {  	_ =	shalt  }
0x54: {  	_ =	shalt  }
0x55: {  	_ =	shalt  }
0x56: {  	_ =	shalt  }
0x57: {  	_ =	shalt  }
0x58: {  	_ =	shalt  }
0x59: {  	_ =	shalt  }
0x5a: {  	_ =	shalt  }
0x5b: {  	_ =	shalt  }
0x5c: {  	_ =	shalt  }
0x5d: {  	_ =	shalt  }
0x5e: {  	_ =	shalt  }
0x5f: {  	_ =	shalt  }
0x60: {  	_ =	shalt  }
0x61: {  	_ =	shalt  }
0x62: {  	_ =	shalt  }
0x63: {  	_ =	shalt  }
0x64: {  	_ =	shalt  }
0x65: {  	_ =	shalt  }
0x66: {  	_ =	shalt  }
0x67: {  	_ =	shalt  }
0x68: {  	_ =	shalt  }
0x69: {  	_ =	shalt  }
0x6a: {  	_ =	shalt  }
0x6b: {  	_ =	shalt  }
0x6c: {  	_ =	shalt  }
0x6d: {  	_ =	shalt  }
0x6e: {  	_ =	shalt  }
0x6f: {  	_ =	shalt  }
0x70: {  	_ =	shalt  }
0x71: {  	_ =	shalt  }
0x72: {  	_ =	shalt  }
0x73: {  	_ =	shalt  }
0x74: {  	_ =	shalt  }
0x75: {  	_ =	shalt  }
0x76: {  	_ =	shalt  }
0x77: {  	_ =	shalt  }
0x78: {  	_ =	shalt  }
0x79: {  	_ =	shalt  }
0x7a: {  	_ =	shalt  }
0x7b: {  	_ =	shalt  }
0x7c: {  	_ =	shalt  }
0x7d: {  	_ =	shalt  }
0x7e: {  	_ =	shalt  }
0x7f: {  	_ =	shalt  }
0x80: {  	_ =	shalt  }
0x81: {  	_ =	shalt  }
0x82: {  	_ =	shalt  }
0x83: {  	_ =	shalt  }
0x84: {  	_ =	shalt  }
0x85: {  	_ =	shalt  }
0x86: {  	_ =	shalt  }
0x87: {  	_ =	shalt  }
.Lfunc_end0:
.L_simem_size_0:
called_computation_lowered:
.L_overlay_start_0:
0x88: {  	s2 =	sld [smem:$0x3FD9]  }
0x89: {  	s3 =	sld [smem:$0x3FFE];
	_ =	sdelay $0x1  }
0x8a: {  	s1 =	srdreg.scid  }
0x8b: {  	s0 =	sand.u32 $0x1, s1  }
0x8c: {  	s17 =	sshll.u32 s0, $0xA;
	s2 =	sadd.s32 s3, s2  }
0x8d: {  	s2 =	sadd.s32 s2, s17  }
0x8e: {  	[smem:$0x3F6C] =	sst s2  }
0x8f: {  	_ = 	snop  }
0x90: {  	s2 =	sld [smem:$0x3FD0];
	(tm) =	ssettm $0x1  }
0x91: {  	s18 =	sld [smem:$0x3FFB];
	_ =	sdelay $0x3  }
0x92: {  	_ =	strace s18  }
0x93: {  	s3 =	sld [smem:$0x3FFC];
	_ =	sdelay $0x3  }
0x94: {  	_ =	strace s3  }
0x95: {  	s3 =	sld [smem:$0x3FFD];
	_ =	sdelay $0x3  }
0x96: {  	_ =	strace s3  }
0x97: {  	_ =	strace $0x8FFFFFFF  }
0x98: {  	s19 =	sld [smem:$0x3FDB];
	_ =	sdelay $0x1  }
0x99: {  	s4 =	simm.s32 $_scs_section_size  }
0x9a: {  	s5 =	simm.s32 $_size__tile_overlayer_lowered;
	s6 =	simm.s32 $_tile_overlayer_lowered  }
0x9b: {  	s22 =	simm.s32 $0x1BFF;
	s21 =	sshll.u32 s6, $0x1;
	s3 =	sadd.s32 s4, s19  }
0x9c: {  	s7 =	simm.s32 $0x0;
	s20 =	sshll.u32 s5, $0x1;
	s5 =	sadd.s32 s21, s3  }
0x9d: {  	[timem:s7], [sflag:s22] =	dma.local [hbm:s5], s20  }
0x9e: {  	_ =	swait.ge [sflag:s22], s20  }
0x9f: {  	s4 =	ssub.s32 $0x0, s20;
	[sflag:s22] =	ssyncset.done $0x0  }
0xa0: {  	[sflag:s22] =	ssyncadd.s32 s4;
	_ =	sdelay $0x1  }
0xa1: {  	s23 =	simm.s32 $0x1B8B  }
0xa2: {  	_ =	swait.ge [sflag:s23], $0x1  }
0xa3: {  	[sflag:s23] =	ssyncset.done $0x0  }
0xa4: {  	s25 =	simm.s32 $0x1B8E;
	s24 =	sld [smem:$0x3FFE];
	[sflag:s23] =	ssyncadd.s32 $0xFFFFFFFF  }
0xa5: {  	s26 =	simm.s32 $execute0_lowered;
	[smem:$0x3FD2] =	sst s25  }
0xa6: {  	s5 =	sshll.u32 s26, $0x1;
	_ =	strace $0x80000046;
	[dreg:$0x1] =	wrdreg $0xFFFFFFFF  }
0xa7: {  	s28 =	simm.s32 $_size_execute0_lowered;
	s3 =	sadd.s32 s3, s5;
	[dreg:$0x0] =	wrdreg $0x0  }
0xa8: {  	s5 =	sshll.u32 s28, $0x1;
	[dreg:$0x2] =	wrdreg s3  }
0xa9: {  	[dreg:$0x3] =	wrdreg s5  }
0xaa: {  	[dreg:$0x4] =	wrdreg $0xC0  }
0xab: {  	_ =	task [dreg:s7], $0x5FFFF  }
0xac: {  	[dreg:$0x1] =	wrdreg $0xFFFFFFFF  }
0xad: {  	[dreg:$0x0] =	wrdreg $0x60  }
0xae: {  	[dreg:$0x2] =	wrdreg s24  }
0xaf: {  	[dreg:$0x3] =	wrdreg s2  }
0xb0: {  	[dreg:$0x4] =	wrdreg $0x9  }
0xb1: {  	_ =	task.clear_ibuf [dreg:s7], $0x5FFFF;
	_ =	strace $0x90000046  }
0xb2: {  	s29 =	simm.s32 $0x9;
	_ =	strace $0x80000048  }
0xb3: {  	_ =	swait.ge [sflag:s29], $0x1  }
0xb4: {  	[sflag:s29] =	ssyncadd.s32 $0xFFFFFFFF  }
0xb5: {  	_ =	strace $0x90000048  }
0xb6: {  	_ =	sfence  }
0xb7: {  	s30 =	sld [smem:$0x0];
	_ =	sdelay $0x2  }
0xb8: {  	s31 =	sshll.u32 s1, $0xD;
	s1 =	sshrl.u32 s1, $0x2  }
0xb9: {  	s3 =	sand.u32 $0x4000, s31;
	s1 =	sadd.s32 s1, s30  }
0xba: {  	s0 =	sor.u32 s3, s0;
	s1 =	sshll.u32 s1, $0x11  }
0xbb: {  	s0 =	sor.u32 s1, s0  }
0xbc: {  	s0 =	sadd.s32 $0x8F2B, s0  }
0xbd: {  	[sflag:s0] =	ssyncadd.remote.s32 $0x1  }
0xbe: {  	_ =	sfence.sel $0xFFFF  }
0xbf: {  	[dreg:$0x0] =	wrdreg $0xFFFFFFFF;
	(pc) =	sbr.abs _section_cstart, $3  }
0xc0: {  	[dreg:$0x1] =	wrdreg $0xFFFFFFFF  }
0xc1: {  	_ =	task.clear_ibuf [dreg:s7], $0x2FFFF;
	_ =	strace $0x9FFFFFFF  }
0xc2: {  	(tm) =	ssettm $0x7FFFFFFF  }
0xc3: {  	_ =	shalt  }
tec
execute0_lowered:
.L_overlay_start_1:
0x0: {  	(tag) =	ssettag $0x1  }
0x1: {  	s2 =	rddreg [dreg:$0x0]  }
0x2: {  	s3 =	rddreg [dreg:$0x1]  }
0x3: {  	s0 =	rddreg [dreg:$0x2];
	s1 =	srdreg.scid;
	_ =	strace $0x80000047  }
0x4: {  	s4 =	simm.s32 $0x1;
	s9 =	simm.s32 $0x3;
	s5 =	sshll.u32 s1, $0x4  }
.Ltmp0:
0x5: {  	s1 =	stileid.u32;
	s5 =	sand.u32 $0x10, s5;
	(pc) =	sbr.rel .LBB2_1-.Ltmp0, $4  }
0x6: {  	s12 =	simm.s32 $0x0;
	s10 =	simm.s32 $0x0;
	s6 =	sor.u32 s1, s5  }
0x7: {  	[sflag:s4] =	ssyncpa.u1 $0x0;
	s5 =	simm.s32 $0x2;
	s6 =	sshll.u32 s6, $0x8  }
0x8: {  	s7 =	sadd.s32 $0x81200, s2;
	[sflag:s5] =	ssyncpa.u1 $0x0;
	s8 =	sadd.s32 $0x100, s6  }
0x9: {  	vm0 =	vmmov $0xff;
	vm1 =	vcmask $0x3F20;
	[sflag:s9] =	ssyncpa.u1 $0x0;
	s9 =	simm.s32 $0x100;
	s11 =	smov.u32 s6  }
.LBB2_9:
0xa: {  	p0 =	seq.s32 s10, $0x2  }
.Ltmp1:
0xb: {  	_ = 	snop;
	(pc) =	sbr.rel @p0 .LBB2_11-.Ltmp1, $1  }
0xc: {  	_ =	sdelay $0x3  }
.LBB2_10:
0xd: {  	s12 =	sadd.s32 $0x100, s11  }
0xe: {  	s13 =	smov.u32 s6;
	p0 =	slt.s32 s12, s8  }
0xf: {  	s13 =	smov.u32 @p0 s12  }
0x10: {  	s10 =	sadd.s32 $0x1, s10;
	s12 =	smov.u32 s11;
	s11 =	smov.u32 s13  }
.LBB2_1:
0x11: {  	p0 =	sne.s32 s10, $0x0  }
.Ltmp2:
0x12: {  	_ = 	snop;
	(pc) =	sbr.rel @!p0 .LBB2_2-.Ltmp2, $1  }
0x13: {  	_ =	sdelay $0x3  }
0x14: {  	s13 =	sand.u32 $0x1, s10  }
0x15: {  	p0 =	seq.s32 s13, $0x0  }
.Ltmp3:
0x16: {  	_ = 	snop;
	(pc) =	sbr.rel @p0 .LBB2_9-.Ltmp3, $1  }
0x17: {  	_ =	sdelay $0x3  }
0x18: {  	_ =	swait.ge [sflag:s5], $0x100  }
0x19: {  	[sflag:s5] =	ssyncset.done $0x0  }
0x1a: {  	s13 =	simm.s32 $0x0;
	[sflag:s5] =	ssyncadd.s32 $0xFFFFFF00  }
0x1b: {  	v0 =	vld.msk [tilespmem:s13+$0x100 ss:$0x1], $0xffff;
	_ =	sdelay $0x4  }
0x1c: {  	v1 =	vshll.u32 v0, $0x4  }
0x1d: {  	vm2 =	veq.s32 v0, $0x80000000;
	v0 =	vshll.u32 v0, $0x13;
	v1 =	vand.u32 $0x7FF80, v1  }
0x1e: {  	v0 =	vand.u32 $0x380000, v0;
	v1 =	vsel vm2, $0xFFFFFF80, v1  }
0x1f: {  	v0 =	vsel vm2, $0xFFF80000, v0;
	v2 =	vand.u32 $0xFFFFFC00, v1  }
0x20: {  	v1 =	vand.u32 $0x380, v1;
	v0 =	vadd.s32 v0, v2  }
0x21: {  	v0 =	vor.u32 v1, v0  }
0x22: {  	v0 =	vshrl.u32 v0, $0x3;
	_ =	sdelay $0x3  }
0x23: {  	s13 =	simm.s32 $0x8200  }
0x24: {  	[tilespmem:s13], [sflag:$0x1] =	stream.indirect_vreg.gather [hbm:s2], $0x80, v0, vm0, $0x38;
	[tilespmem:$0x10200] =	vst v63  }
0x25: {  	s14 =	simm.s32 $0x8600;
	s31 =	simm.s32 $0x10  }
0x26: {  	[tilespmem:s14], [sflag:$0x1] =	stream.indirect_vreg.gather [hbm:s2], $0x80, v0, vm1, $0x38;
	[tilespmem:$0x10200] =	vst v63  }
0x27: {  	s14 =	simm.s32 $0x80;
	v0 =	vld.msk [tilespmem:s31+$0x100 ss:$0x1], $0xffff  }
.LBB2_5:
0x28: {  	p0 =	sne.s32 s14, $0x3C0;
	_ =	sdelay $0x4  }
0x29: {  	v1 =	vshll.u32 v0, $0x4  }
0x2a: {  	vm2 =	veq.s32 v0, $0x80000000;
	v0 =	vshll.u32 v0, $0x13;
	v1 =	vand.u32 $0x7FF80, v1  }
0x2b: {  	v0 =	vand.u32 $0x380000, v0;
	v1 =	vsel vm2, $0xFFFFFF80, v1  }
0x2c: {  	v0 =	vsel vm2, $0xFFF80000, v0;
	v2 =	vand.u32 $0xFFFFFC00, v1  }
0x2d: {  	v1 =	vand.u32 $0x380, v1;
	v0 =	vadd.s32 v0, v2  }
0x2e: {  	v0 =	vor.u32 v1, v0  }
0x2f: {  	v0 =	vshrl.u32 v0, $0x3;
	_ =	sdelay $0x3  }
.Ltmp4:
0x30: {  	s13 =	sadd.s32 $0x800, s13;
	(pc) =	sbr.rel @p0 .LBB2_5-.Ltmp4, $4  }
0x31: {  	[tilespmem:s13], [sflag:$0x1] =	stream.indirect_vreg.gather [hbm:s2], $0x80, v0, vm0, $0x38;
	[tilespmem:$0x10200] =	vst v63  }
0x32: {  	s15 =	sshra.s32 s14, $0x2;
	s16 =	sadd.s32 $0x400, s13  }
0x33: {  	[tilespmem:s16], [sflag:$0x1] =	stream.indirect_vreg.gather [hbm:s2], $0x80, v0, vm1, $0x38;
	[tilespmem:$0x10200] =	vst v63  }
0x34: {  	s14 =	sadd.s32 $0x40, s14;
	v0 =	vld.msk [tilespmem:s15+$0x100 ss:$0x1], $0xffff  }
0x35: {  	_ =	sdelay $0x3  }
0x36: {  	v1 =	vshll.u32 v0, $0x4  }
0x37: {  	vm2 =	veq.s32 v0, $0x80000000;
	v63 =	vshll.u32 v0, $0x13;
	v1 =	vand.u32 $0x7FF80, v1  }
0x38: {  	v0 =	vand.u32 $0x380000, v63;
	v1 =	vsel vm2, $0xFFFFFF80, v1  }
0x39: {  	v0 =	vsel vm2, $0xFFF80000, v0;
	v2 =	vand.u32 $0xFFFFFC00, v1  }
0x3a: {  	v1 =	vand.u32 $0x380, v1;
	v0 =	vadd.s32 v0, v2  }
0x3b: {  	v0 =	vor.u32 v1, v0  }
0x3c: {  	v0 =	vshrl.u32 v0, $0x3;
	_ =	sdelay $0x3  }
0x3d: {  	s13 =	sadd.s32 $0x800, s13  }
0x3e: {  	[tilespmem:s13], [sflag:$0x1] =	stream.indirect_vreg.gather [hbm:s2], $0x80, v0, vm0, $0x38;
	[tilespmem:$0x10200] =	vst v63  }
0x3f: {  	s13 =	sadd.s32 $0x400, s13  }
0x40: {  	[tilespmem:s13], [sflag:$0x1] =	stream.indirect_vreg.gather [hbm:s2], $0x80, v0, vm1, $0x38;
	[tilespmem:$0x10200] =	vst v63  }
0x41: {  	s12 =	sshll.u32 s12, $0x4;
	s14 =	simm.s32 $0x80;
	_ =	swait.ge [sflag:s4], $0x8000  }
0x42: {  	s15 =	simm.s32 $0x8600;
	s12 =	sadd.s32 s12, s7;
	[sflag:s4] =	ssyncset.done $0x0  }
0x43: {  	s16 =	sadd.s32 $0x0, s12;
	s13 =	simm.s32 $0x8200;
	[sflag:s4] =	ssyncadd.s32 $0xFFFF8000  }
.LBB2_7:
0x44: {  	[hbm:s16] =	stream.linear.scatter [tilespmem:s13], [sflag:$0x3], $0x400, $0x38;
	[tilespmem:$0x10200] =	vst v63  }
0x45: {  	s16 =	smov.u32 s14;
	s13 =	smov.u32 s15;
	p0 =	sne.s32 s14, $0xF80  }
.Ltmp5:
0x46: {  	s14 =	sadd.s32 $0x80, s14;
	(pc) =	sbr.rel @p0 .LBB2_7-.Ltmp5, $2  }
0x47: {  	_ =	sdelay $0x2  }
0x48: {  	s15 =	sadd.s32 $0x400, s15;
	s16 =	sadd.s32 s16, s12  }
.Ltmp6:
0x49: {  	(pc) =	sbr.rel .LBB2_9-.Ltmp6, $2  }
0x4a: {  	_ =	sdelay $0x2  }
0x4b: {  	[hbm:s16] =	stream.linear.scatter [tilespmem:s13], [sflag:$0x3], $0x400, $0x38;
	[tilespmem:$0x10200] =	vst v63  }
.LBB2_2:
.Ltmp7:
0x4c: {  	(pc) =	sbr.rel .LBB2_10-.Ltmp7, $4  }
0x4d: {  	_ = 	snop  }
0x4e: {  	s12 =	sshrl.u32 s11, $0x3  }
0x4f: {  	s13 =	sand.u32 $0x7, s11;
	s12 =	sadd.s32 s3, s12  }
0x50: {  	[tilespmem:s9], [sflag:$0x2] =	stream.linear.gather [hbm4b:s12+s13], $0x100, $0x38;
	[tilespmem:$0x10200] =	vst v63  }
.LBB2_11:
0x51: {  	s2 =	simm.s32 $0x3  }
0x52: {  	_ =	swait.ge [sflag:s2], $0x8000  }
0x53: {  	[sflag:s2] =	ssyncset.done $0x0  }
0x54: {  	[sflag:s2] =	ssyncadd.s32 $0xFFFF8000  }
0x55: {  	_ =	sfence.sel $0x180000  }
0x56: {  	s3 =	simm.s32 $0x2;
	[bflag:$0x0] =	sbarrier.arrive $0xFFFF  }
0x57: {  	[sflag:s3] =	ssyncpa.u1 $0x1  }
0x58: {  	s31 =	simm.s32 $0x1;
	[sflag:s2] =	ssyncpa.u1 $0x1  }
0x59: {  	[sflag:s31] =	ssyncpa.u1 $0x1  }
0x5a: {  	p0 =	sne.s32 s1, $0x0;
	_ =	strace $0x90000047  }
0x5b: {  	s0 =	sadd.s32 @!p0 $0x100000, s0;
	[bflag:$0x2] =	sbarrier.arrive $0xFFFF  }
0x5c: {  	[sflag:s0] =	ssyncadd.tile.s32 @!p0 $0x1;
	_ =	shalt  }
.Lfunc_end2:
_tile_overlayer_lowered:
.L_overlay_start_2:
0x5d: {  	(tag) =	ssettag $0x2  }
0x5e: {  	s0 =	rddreg [dreg:$0x0];
	s2 =	stileid.u32  }
0x5f: {  	s1 =	rddreg [dreg:$0x1];
	p0 =	sne.s32 s2, $0x0  }
0x60: {  	s3 =	rddreg [dreg:$0x2];
	[bflag:$0x3] =	sbarrier.arrive $0xFFFF;
	s2 =	simm.s32 @!p0 $0x1C01  }
0x61: {  	[timem:s3], [sflag:s2] =	dma.local @!p0 [hbm:s0], s1  }
0x62: {  	s0 =	simm.s32 @!p0 $0x1  }
0x63: {  	_ =	swait.ge @!p0 [sflag:s0], s1  }
0x64: {  	s1 =	ssub.s32 @!p0 $0x0, s1;
	[sflag:s0] =	ssyncset.done @!p0 $0x0  }
0x65: {  	[sflag:s0] =	ssyncadd.s32 @!p0 s1  }
0x66: {  	[bflag:$0x3] =	sbarrier.arrive $0xFFFF  }
0x67: {  	_ =	shalt  }

</sc_bundles>
